<compile_context>
chip_gen: v7x
topology: tpu7x:2x2x1
jax: 0.10.2.dev20260603
libtpu: 0.0.44.dev20260713+nightly
codegen_flags: <defaults>
</compile_context>

<pallas_src>
import functools

import jax
import jax.numpy as jnp
from jax import lax
from jax.experimental import pallas as pl
from jax.experimental.pallas import tpu as pltpu
from jax.experimental.pallas import tpu_sc as plsc

N = 320000
D = 128
H = 64
M = 10000

NC = 2
NS = 16
NW = NC * NS
LANES = 16

M_PAD = 10240
BN = 16384

SLABS = ((0, 229376), (229376, 90624))


def _mlp_body(x_ref, w1_ref, b1_ref, w2_ref, b2_ref, y_ref):
    x = x_ref[...]
    h = jnp.dot(x, w1_ref[...], preferred_element_type=jnp.float32)
    h = h + b1_ref[...]
    h = h * jax.nn.sigmoid(h)
    y2d = lax.dot_general(
        w2_ref[...], h, (((1,), (1,)), ((), ())),
        preferred_element_type=jnp.float32,
    )
    y_ref[...] = y2d[0] + b2_ref[0]


def _make_mlp(start, size, bn=BN):
    first = start // bn

    def call(x, W1, b1, w2row, b2):
        return pl.pallas_call(
            _mlp_body,
            grid=(pl.cdiv(size, bn),),
            in_specs=[
                pl.BlockSpec((bn, D), lambda i: (first + i, 0)),
                pl.BlockSpec((D, H), lambda i: (0, 0)),
                pl.BlockSpec((H,), lambda i: (0,)),
                pl.BlockSpec((1, H), lambda i: (0, 0)),
                pl.BlockSpec(memory_space=pltpu.SMEM),
            ],
            out_specs=pl.BlockSpec((bn,), lambda i: (i,)),
            out_shape=jax.ShapeDtypeStruct((size,), jnp.float32),
        )(x, W1, b1, w2row, b2)

    return call


def _make_seg(start, size):
    chunk = size // NW
    vecs = chunk // LANES

    unroll = next(u for u in (8, 7, 6, 5, 4, 3, 2, 1) if vecs % u == 0)

    def body(y_hbm, idx_hbm, part_hbm, idx_v, y_v, acc_v):
        wid = lax.axis_index("s") * NC + lax.axis_index("c")
        base = wid * chunk

        pltpu.sync_copy(idx_hbm.at[pl.ds(start + base, chunk)],
                        idx_v.at[pl.ds(LANES, chunk)])
        pltpu.sync_copy(y_hbm.at[pl.ds(base, chunk)], y_v)

        def zero_body(i, c):
            for u in range(4):
                acc_v[pl.ds((i * 4 + u) * LANES, LANES)] = jnp.zeros(
                    (LANES,), jnp.float32)
            return c

        lax.fori_loop(0, M_PAD // LANES // 4, zero_body, 0)

        lanes = lax.iota(jnp.int32, LANES)
        m_head = lanes == 0
        m_tail = lanes == LANES - 1

        def seg(t, c):
            for u in range(unroll):
                b = LANES + (t * unroll + u) * LANES
                iv = idx_v[pl.ds(b, LANES)]
                prev = idx_v[pl.ds(b - 1, LANES)]
                nxt = idx_v[pl.ds(b + 1, LANES)]
                yv = y_v[pl.ds(b - LANES, LANES)]
                cs = plsc.cumsum(yv)
                cex = cs - yv
                plsc.addupdate_scatter(
                    acc_v, [iv], cs, mask=m_tail | (iv != nxt))
                plsc.addupdate_scatter(
                    acc_v, [iv], -cex, mask=m_head | (iv != prev))
            return c

        lax.fori_loop(0, vecs // unroll, seg, 0)

        pltpu.sync_copy(acc_v, part_hbm.at[wid])

    return functools.partial(
        pl.kernel,
        out_type=jax.ShapeDtypeStruct((NW, M_PAD), jnp.float32),
        mesh=plsc.VectorSubcoreMesh(core_axis_name="c", subcore_axis_name="s"),
        compiler_params=pltpu.CompilerParams(needs_layout_passes=False),
        scratch_types=[
            pltpu.VMEM((chunk + 2 * LANES,), jnp.int32),
            pltpu.VMEM((chunk,), jnp.float32),
            pltpu.VMEM((M_PAD,), jnp.float32),
        ],
    )(body)


_MLPS = (_make_mlp(SLABS[0][0], SLABS[0][1], bn=32768),
         _make_mlp(SLABS[1][0], SLABS[1][1], bn=BN))
_SEGS = tuple(_make_seg(s, z) for s, z in SLABS)


def _reduce_body(p1_ref, p2_ref, o_ref):
    s = jnp.sum(p1_ref[...], axis=0) + jnp.sum(p2_ref[...], axis=0)
    o_ref[...] = s[:M]


def _reduce(p1, p2):
    return pl.pallas_call(
        _reduce_body,
        out_shape=jax.ShapeDtypeStruct((M,), jnp.float32),
    )(p1, p2)


def kernel(scalar_representation, idx_m, W1, b1, W2, b2):
    idx = idx_m.astype(jnp.int32)
    w2row = W2.reshape(1, H)
    ys = [mlp(scalar_representation, W1, b1, w2row, b2) for mlp in _MLPS]
    parts = [seg(y, idx) for seg, y in zip(_SEGS, ys)]
    return _reduce(*parts)

# --- scband reference (transcript-rebuilt; emitter-appended) ---
"""Pipeline reference for scband-atomwise-25924422598704 (READ-ONLY COPY).

The authoritative reference and input builder live on the scoring server;
editing this copy changes nothing except your own understanding.
"""

import jax, jax.numpy as jnp
import numpy as np

N = 320000
D = 128
H = 64  # pyramidal MLP: n_in=128 -> 64 -> 1 (n_layers=2, n_hidden=None)
M = 10000


def setup_inputs(seed: int = 0) -> dict:
    key = jax.random.key(seed)
    k1, k2, k3, k4 = jax.random.split(key, 4)
    scalar_representation = jax.random.normal(k1, (N, D), dtype=jnp.float32)
    idx_m = jnp.sort(jax.random.randint(k2, (N,), 0, M, dtype=jnp.int64))
    # ensure the last segment id equals M-1 so maxm is deterministic
    idx_m = idx_m.at[-1].set(M - 1)
    W1 = jax.random.normal(k3, (D, H), dtype=jnp.float32) * (1.0 / np.sqrt(D))
    b1 = jnp.zeros((H,), dtype=jnp.float32)
    W2 = jax.random.normal(k4, (H, 1), dtype=jnp.float32) * (1.0 / np.sqrt(H))
    b2 = jnp.zeros((1,), dtype=jnp.float32)
    return {
        "scalar_representation": scalar_representation,
        "idx_m": idx_m,
        "W1": W1,
        "b1": b1,
        "W2": W2,
        "b2": b2,
    }


def reference(scalar_representation, idx_m, W1, b1, W2, b2):
    # outnet MLP: Dense(128->64) + silu, Dense(64->1)
    h = jax.nn.silu(scalar_representation @ W1 + b1)
    y = h @ W2 + b2  # [N, 1] per-atom contributions
    # aggregation_mode == 'sum': scatter-add per-atom outputs into molecules
    # setup_inputs pins idx_m[-1] == M - 1 on every seed, so maxm == M statically
    maxm = M
    tmp = jnp.zeros((maxm, 1), dtype=y.dtype)
    y = tmp.at[idx_m].add(y)  # == torch.zeros(...).index_add(0, idx_m, y)
    y = jnp.squeeze(y, -1)  # [maxm]
    return y

if __name__ == "__main__":
    import jax
    _d = setup_inputs()
    print(jax.jit(kernel)(*tuple(_d.values())))

</pallas_src>

<mosaic_0001>
#map = affine_map<(d0, d1) -> (0)>
#map1 = affine_map<(d0, d1) -> (0, 0)>
module attributes {stable_mosaic.version = 14 : i64} {
  func.func @body(%arg0: i32, %arg1: i32, %arg2: memref<229376xf32, #tpu.memory_space<hbm>>, %arg3: memref<320000xi32, #tpu.memory_space<hbm>>, %arg4: memref<32x10240xf32, #tpu.memory_space<hbm>>, %arg5: memref<7200xi32, #tpu.memory_space<vmem>>, %arg6: memref<7168xf32, #tpu.memory_space<vmem>>, %arg7: memref<10240xf32, #tpu.memory_space<vmem>>) attributes {dimension_semantics = [#tpu.dimension_semantics<core_parallel>, #tpu.dimension_semantics<subcore_parallel>], iteration_bounds = array<i64: 2, 16>, scalar_prefetch = 0 : i64, scratch_operands = 3 : i64, tpu.core_type = #tpu.core_type<sc_vector_subcore>, window_params = [{transform_indices = #map}, {transform_indices = #map}, {transform_indices = #map1}]} {
    %mul3A = arith.constant 2 : i32
    %mul3A_0 = arith.muli %arg1, %mul3A : i32
    %add3A = arith.addi %mul3A_0, %arg0 : i32
    %mul3A_1 = arith.constant 7168 : i32
    %mul3A_2 = arith.muli %add3A, %mul3A_1 : i32
    %add3A_3 = arith.constant 0 : i32
    %add3A_4 = arith.addi %add3A_3, %mul3A_2 : i32
    "tpu.region"() ({
      %run_scoped3A = tpu.sem_alloc : memref<!tpu.dma_semaphore, #tpu.memory_space<semaphore_mem>>
      %dma_start3A = arith.constant 16 : i32
      %dma_start3A_21 = tpu.memref_slice %arg5[%dma_start3A] : memref<7200xi32, #tpu.memory_space<vmem>> -> memref<7168xi32, #tpu.memory_space<vmem>>
      %dma_start3A_22 = tpu.memref_slice %arg3[%add3A_4] : memref<320000xi32, #tpu.memory_space<hbm>> -> memref<7168xi32, #tpu.memory_space<hbm>>
      %dma_start3A_23 = arith.constant 16 : i32
      %dma_start3A_24 = tpu.memref_slice %arg5[%dma_start3A_23] : memref<7200xi32, #tpu.memory_space<vmem>> -> memref<7168xi32, #tpu.memory_space<vmem>>
      %dma_start3A_25 = tpu.memref_slice %arg3[%add3A_4] : memref<320000xi32, #tpu.memory_space<hbm>> -> memref<7168xi32, #tpu.memory_space<hbm>>
      tpu.enqueue_dma source(%dma_start3A_25 : memref<7168xi32, #tpu.memory_space<hbm>>) target(%dma_start3A_24 : memref<7168xi32, #tpu.memory_space<vmem>>) target_semaphore(%run_scoped3A : memref<!tpu.dma_semaphore, #tpu.memory_space<semaphore_mem>>)
      %dma_wait3A = arith.constant 16 : i32
      %dma_wait3A_26 = tpu.memref_slice %arg5[%dma_wait3A] : memref<7200xi32, #tpu.memory_space<vmem>> -> memref<7168xi32, #tpu.memory_space<vmem>>
      %dma_wait3A_27 = tpu.memref_slice %arg3[%add3A_4] : memref<320000xi32, #tpu.memory_space<hbm>> -> memref<7168xi32, #tpu.memory_space<hbm>>
      %dma_wait3A_28 = arith.constant 16 : i32
      %dma_wait3A_29 = tpu.memref_slice %arg5[%dma_wait3A_28] : memref<7200xi32, #tpu.memory_space<vmem>> -> memref<7168xi32, #tpu.memory_space<vmem>>
      %dma_wait3A_30 = tpu.memref_slice %arg3[%add3A_4] : memref<320000xi32, #tpu.memory_space<hbm>> -> memref<7168xi32, #tpu.memory_space<hbm>>
      tpu.wait_dma2 semaphore(%run_scoped3A : memref<!tpu.dma_semaphore, #tpu.memory_space<semaphore_mem>>) src(%dma_wait3A_30 : memref<7168xi32, #tpu.memory_space<hbm>>) dst(%dma_wait3A_29 : memref<7168xi32, #tpu.memory_space<vmem>>)
      tpu.yield
    }) : () -> ()
    "tpu.region"() ({
      %run_scoped3A = tpu.sem_alloc : memref<!tpu.dma_semaphore, #tpu.memory_space<semaphore_mem>>
      %dma_start3A = tpu.memref_slice %arg2[%mul3A_2] : memref<229376xf32, #tpu.memory_space<hbm>> -> memref<7168xf32, #tpu.memory_space<hbm>>
      %dma_start3A_21 = tpu.memref_slice %arg2[%mul3A_2] : memref<229376xf32, #tpu.memory_space<hbm>> -> memref<7168xf32, #tpu.memory_space<hbm>>
      tpu.enqueue_dma source(%dma_start3A_21 : memref<7168xf32, #tpu.memory_space<hbm>>) target(%arg6 : memref<7168xf32, #tpu.memory_space<vmem>>) target_semaphore(%run_scoped3A : memref<!tpu.dma_semaphore, #tpu.memory_space<semaphore_mem>>)
      %dma_wait3A = tpu.memref_slice %arg2[%mul3A_2] : memref<229376xf32, #tpu.memory_space<hbm>> -> memref<7168xf32, #tpu.memory_space<hbm>>
      %dma_wait3A_22 = tpu.memref_slice %arg2[%mul3A_2] : memref<229376xf32, #tpu.memory_space<hbm>> -> memref<7168xf32, #tpu.memory_space<hbm>>
      tpu.wait_dma2 semaphore(%run_scoped3A : memref<!tpu.dma_semaphore, #tpu.memory_space<semaphore_mem>>) src(%dma_wait3A_22 : memref<7168xf32, #tpu.memory_space<hbm>>) dst(%arg6 : memref<7168xf32, #tpu.memory_space<vmem>>)
      tpu.yield
    }) : () -> ()
    %scan3A = arith.constant 0 : i32
    %scan3A_5 = arith.constant 0 : i32
    %scan3A_6 = arith.constant 160 : i32
    %scan3A_7 = arith.addi %scan3A_5, %scan3A_6 : i32
    %scan3A_8 = arith.constant 1 : i32
    scf.for %scan3A_21 = %scan3A_5 to %scan3A_7 step %scan3A_8  : i32 {
      %broadcast_in_dim3A = arith.constant 0.000000e+00 : f32
      %broadcast_in_dim3A_22 = vector.broadcast %broadcast_in_dim3A : f32 to vector<16xf32>
      %mul3A_23 = arith.constant 4 : i32
      %mul3A_24 = arith.muli %scan3A_21, %mul3A_23 : i32
      %add3A_25 = arith.constant 0 : i32
      %add3A_26 = arith.addi %mul3A_24, %add3A_25 : i32
      %mul3A_27 = arith.constant 16 : i32
      %mul3A_28 = arith.muli %add3A_26, %mul3A_27 : i32
      %swap3A = arith.index_cast %mul3A_28 : i32 to index
      %swap3A_29 = tpu.vector_load %arg7[%swap3A] {strides = array<i32>} : memref<10240xf32, #tpu.memory_space<vmem>>, vector<16xf32>,
      tpu.vector_store %arg7[%swap3A], %broadcast_in_dim3A_22 {strides = array<i32>} : memref<10240xf32, #tpu.memory_space<vmem>>, vector<16xf32>,
      %broadcast_in_dim3A_30 = arith.constant 0.000000e+00 : f32
      %broadcast_in_dim3A_31 = vector.broadcast %broadcast_in_dim3A_30 : f32 to vector<16xf32>
      %mul3A_32 = arith.constant 4 : i32
      %mul3A_33 = arith.muli %scan3A_21, %mul3A_32 : i32
      %add3A_34 = arith.constant 1 : i32
      %add3A_35 = arith.addi %mul3A_33, %add3A_34 : i32
      %mul3A_36 = arith.constant 16 : i32
      %mul3A_37 = arith.muli %add3A_35, %mul3A_36 : i32
      %swap3A_38 = arith.index_cast %mul3A_37 : i32 to index
      %swap3A_39 = tpu.vector_load %arg7[%swap3A_38] {strides = array<i32>} : memref<10240xf32, #tpu.memory_space<vmem>>, vector<16xf32>,
      tpu.vector_store %arg7[%swap3A_38], %broadcast_in_dim3A_31 {strides = array<i32>} : memref<10240xf32, #tpu.memory_space<vmem>>, vector<16xf32>,
      %broadcast_in_dim3A_40 = arith.constant 0.000000e+00 : f32
      %broadcast_in_dim3A_41 = vector.broadcast %broadcast_in_dim3A_40 : f32 to vector<16xf32>
      %mul3A_42 = arith.constant 4 : i32
      %mul3A_43 = arith.muli %scan3A_21, %mul3A_42 : i32
      %add3A_44 = arith.constant 2 : i32
      %add3A_45 = arith.addi %mul3A_43, %add3A_44 : i32
      %mul3A_46 = arith.constant 16 : i32
      %mul3A_47 = arith.muli %add3A_45, %mul3A_46 : i32
      %swap3A_48 = arith.index_cast %mul3A_47 : i32 to index
      %swap3A_49 = tpu.vector_load %arg7[%swap3A_48] {strides = array<i32>} : memref<10240xf32, #tpu.memory_space<vmem>>, vector<16xf32>,
      tpu.vector_store %arg7[%swap3A_48], %broadcast_in_dim3A_41 {strides = array<i32>} : memref<10240xf32, #tpu.memory_space<vmem>>, vector<16xf32>,
      %broadcast_in_dim3A_50 = arith.constant 0.000000e+00 : f32
      %broadcast_in_dim3A_51 = vector.broadcast %broadcast_in_dim3A_50 : f32 to vector<16xf32>
      %mul3A_52 = arith.constant 4 : i32
      %mul3A_53 = arith.muli %scan3A_21, %mul3A_52 : i32
      %add3A_54 = arith.constant 3 : i32
      %add3A_55 = arith.addi %mul3A_53, %add3A_54 : i32
      %mul3A_56 = arith.constant 16 : i32
      %mul3A_57 = arith.muli %add3A_55, %mul3A_56 : i32
      %swap3A_58 = arith.index_cast %mul3A_57 : i32 to index
      %swap3A_59 = tpu.vector_load %arg7[%swap3A_58] {strides = array<i32>} : memref<10240xf32, #tpu.memory_space<vmem>>, vector<16xf32>,
      tpu.vector_store %arg7[%swap3A_58], %broadcast_in_dim3A_51 {strides = array<i32>} : memref<10240xf32, #tpu.memory_space<vmem>>, vector<16xf32>,
    }
    %scan3A_9 = arith.constant 160 : i32
    %iota3A = tpu.iota {dimensions = array<i32: 0>} : vector<16xi32>
    %eq3A = arith.constant 0 : i32
    %eq3A_10 = vector.broadcast %eq3A : i32 to vector<16xi32>
    %eq3A_11 = arith.cmpi eq, %iota3A, %eq3A_10 : vector<16xi32>
    %eq3A_12 = arith.constant 15 : i32
    %eq3A_13 = vector.broadcast %eq3A_12 : i32 to vector<16xi32>
    %eq3A_14 = arith.cmpi eq, %iota3A, %eq3A_13 : vector<16xi32>
    %scan3A_15 = arith.constant 0 : i32
    %scan3A_16 = arith.constant 0 : i32
    %scan3A_17 = arith.constant 56 : i32
    %scan3A_18 = arith.addi %scan3A_16, %scan3A_17 : i32
    %scan3A_19 = arith.constant 1 : i32
    scf.for %scan3A_21 = %scan3A_16 to %scan3A_18 step %scan3A_19  : i32 {
      %mul3A_22 = arith.constant 8 : i32
      %mul3A_23 = arith.muli %scan3A_21, %mul3A_22 : i32
      %add3A_24 = arith.constant 0 : i32
      %add3A_25 = arith.addi %mul3A_23, %add3A_24 : i32
      %mul3A_26 = arith.constant 16 : i32
      %mul3A_27 = arith.muli %add3A_25, %mul3A_26 : i32
      %add3A_28 = arith.constant 16 : i32
      %add3A_29 = arith.addi %add3A_28, %mul3A_27 : i32
      %get3A = arith.index_cast %add3A_29 : i32 to index
      %get3A_30 = tpu.vector_load %arg5[%get3A] {strides = array<i32>} : memref<7200xi32, #tpu.memory_space<vmem>>, vector<16xi32>,
      %sub3A = arith.constant 1 : i32
      %sub3A_31 = arith.subi %add3A_29, %sub3A : i32
      %get3A_32 = arith.index_cast %sub3A_31 : i32 to index
      %get3A_33 = tpu.vector_load %arg5[%get3A_32] {strides = array<i32>} : memref<7200xi32, #tpu.memory_space<vmem>>, vector<16xi32>,
      %add3A_34 = arith.constant 1 : i32
      %add3A_35 = arith.addi %add3A_29, %add3A_34 : i32
      %get3A_36 = arith.index_cast %add3A_35 : i32 to index
      %get3A_37 = tpu.vector_load %arg5[%get3A_36] {strides = array<i32>} : memref<7200xi32, #tpu.memory_space<vmem>>, vector<16xi32>,
      %sub3A_38 = arith.constant 16 : i32
      %sub3A_39 = arith.subi %add3A_29, %sub3A_38 : i32
      %get3A_40 = arith.index_cast %sub3A_39 : i32 to index
      %get3A_41 = tpu.vector_load %arg6[%get3A_40] {strides = array<i32>} : memref<7168xf32, #tpu.memory_space<vmem>>, vector<16xf32>,
      %broadcast_in_dim3A = arith.constant true
      %broadcast_in_dim3A_42 = vector.broadcast %broadcast_in_dim3A : i1 to vector<16xi1>
      %masked_cumsum3A = tpu.scan <sum>, %get3A_41 masked %broadcast_in_dim3A_42 : vector<16xf32>, vector<16xi1> -> vector<16xf32>
      %sub3A_43 = arith.subf %masked_cumsum3A, %get3A_41 : vector<16xf32>
      %ne3A = arith.cmpi ne, %get3A_30, %get3A_37 : vector<16xi32>
      %or3A = arith.ori %eq3A_14, %ne3A : vector<16xi1>
      tpu.vector_store_idx %arg7[%get3A_30], %masked_cumsum3A masked %or3A {add = true} : memref<10240xf32, #tpu.memory_space<vmem>>[vector<16xi32>], vector<16xf32>, vector<16xi1>
      %neg3A = arith.constant 0.000000e+00 : f32
      %neg3A_44 = vector.broadcast %neg3A : f32 to vector<16xf32>
      %neg3A_45 = arith.subf %neg3A_44, %sub3A_43 : vector<16xf32>
      %ne3A_46 = arith.cmpi ne, %get3A_30, %get3A_33 : vector<16xi32>
      %or3A_47 = arith.ori %eq3A_11, %ne3A_46 : vector<16xi1>
      tpu.vector_store_idx %arg7[%get3A_30], %neg3A_45 masked %or3A_47 {add = true} : memref<10240xf32, #tpu.memory_space<vmem>>[vector<16xi32>], vector<16xf32>, vector<16xi1>
      %mul3A_48 = arith.constant 8 : i32
      %mul3A_49 = arith.muli %scan3A_21, %mul3A_48 : i32
      %add3A_50 = arith.constant 1 : i32
      %add3A_51 = arith.addi %mul3A_49, %add3A_50 : i32
      %mul3A_52 = arith.constant 16 : i32
      %mul3A_53 = arith.muli %add3A_51, %mul3A_52 : i32
      %add3A_54 = arith.constant 16 : i32
      %add3A_55 = arith.addi %add3A_54, %mul3A_53 : i32
      %get3A_56 = arith.index_cast %add3A_55 : i32 to index
      %get3A_57 = tpu.vector_load %arg5[%get3A_56] {strides = array<i32>} : memref<7200xi32, #tpu.memory_space<vmem>>, vector<16xi32>,
      %sub3A_58 = arith.constant 1 : i32
      %sub3A_59 = arith.subi %add3A_55, %sub3A_58 : i32
      %get3A_60 = arith.index_cast %sub3A_59 : i32 to index
      %get3A_61 = tpu.vector_load %arg5[%get3A_60] {strides = array<i32>} : memref<7200xi32, #tpu.memory_space<vmem>>, vector<16xi32>,
      %add3A_62 = arith.constant 1 : i32
      %add3A_63 = arith.addi %add3A_55, %add3A_62 : i32
      %get3A_64 = arith.index_cast %add3A_63 : i32 to index
      %get3A_65 = tpu.vector_load %arg5[%get3A_64] {strides = array<i32>} : memref<7200xi32, #tpu.memory_space<vmem>>, vector<16xi32>,
      %sub3A_66 = arith.constant 16 : i32
      %sub3A_67 = arith.subi %add3A_55, %sub3A_66 : i32
      %get3A_68 = arith.index_cast %sub3A_67 : i32 to index
      %get3A_69 = tpu.vector_load %arg6[%get3A_68] {strides = array<i32>} : memref<7168xf32, #tpu.memory_space<vmem>>, vector<16xf32>,
      %broadcast_in_dim3A_70 = arith.constant true
      %broadcast_in_dim3A_71 = vector.broadcast %broadcast_in_dim3A_70 : i1 to vector<16xi1>
      %masked_cumsum3A_72 = tpu.scan <sum>, %get3A_69 masked %broadcast_in_dim3A_71 : vector<16xf32>, vector<16xi1> -> vector<16xf32>
      %sub3A_73 = arith.subf %masked_cumsum3A_72, %get3A_69 : vector<16xf32>
      %ne3A_74 = arith.cmpi ne, %get3A_57, %get3A_65 : vector<16xi32>
      %or3A_75 = arith.ori %eq3A_14, %ne3A_74 : vector<16xi1>
      tpu.vector_store_idx %arg7[%get3A_57], %masked_cumsum3A_72 masked %or3A_75 {add = true} : memref<10240xf32, #tpu.memory_space<vmem>>[vector<16xi32>], vector<16xf32>, vector<16xi1>
      %neg3A_76 = arith.constant 0.000000e+00 : f32
      %neg3A_77 = vector.broadcast %neg3A_76 : f32 to vector<16xf32>
      %neg3A_78 = arith.subf %neg3A_77, %sub3A_73 : vector<16xf32>
      %ne3A_79 = arith.cmpi ne, %get3A_57, %get3A_61 : vector<16xi32>
      %or3A_80 = arith.ori %eq3A_11, %ne3A_79 : vector<16xi1>
      tpu.vector_store_idx %arg7[%get3A_57], %neg3A_78 masked %or3A_80 {add = true} : memref<10240xf32, #tpu.memory_space<vmem>>[vector<16xi32>], vector<16xf32>, vector<16xi1>
      %mul3A_81 = arith.constant 8 : i32
      %mul3A_82 = arith.muli %scan3A_21, %mul3A_81 : i32
      %add3A_83 = arith.constant 2 : i32
      %add3A_84 = arith.addi %mul3A_82, %add3A_83 : i32
      %mul3A_85 = arith.constant 16 : i32
      %mul3A_86 = arith.muli %add3A_84, %mul3A_85 : i32
      %add3A_87 = arith.constant 16 : i32
      %add3A_88 = arith.addi %add3A_87, %mul3A_86 : i32
      %get3A_89 = arith.index_cast %add3A_88 : i32 to index
      %get3A_90 = tpu.vector_load %arg5[%get3A_89] {strides = array<i32>} : memref<7200xi32, #tpu.memory_space<vmem>>, vector<16xi32>,
      %sub3A_91 = arith.constant 1 : i32
      %sub3A_92 = arith.subi %add3A_88, %sub3A_91 : i32
      %get3A_93 = arith.index_cast %sub3A_92 : i32 to index
      %get3A_94 = tpu.vector_load %arg5[%get3A_93] {strides = array<i32>} : memref<7200xi32, #tpu.memory_space<vmem>>, vector<16xi32>,
      %add3A_95 = arith.constant 1 : i32
      %add3A_96 = arith.addi %add3A_88, %add3A_95 : i32
      %get3A_97 = arith.index_cast %add3A_96 : i32 to index
      %get3A_98 = tpu.vector_load %arg5[%get3A_97] {strides = array<i32>} : memref<7200xi32, #tpu.memory_space<vmem>>, vector<16xi32>,
      %sub3A_99 = arith.constant 16 : i32
      %sub3A_100 = arith.subi %add3A_88, %sub3A_99 : i32
      %get3A_101 = arith.index_cast %sub3A_100 : i32 to index
      %get3A_102 = tpu.vector_load %arg6[%get3A_101] {strides = array<i32>} : memref<7168xf32, #tpu.memory_space<vmem>>, vector<16xf32>,
      %broadcast_in_dim3A_103 = arith.constant true
      %broadcast_in_dim3A_104 = vector.broadcast %broadcast_in_dim3A_103 : i1 to vector<16xi1>
      %masked_cumsum3A_105 = tpu.scan <sum>, %get3A_102 masked %broadcast_in_dim3A_104 : vector<16xf32>, vector<16xi1> -> vector<16xf32>
      %sub3A_106 = arith.subf %masked_cumsum3A_105, %get3A_102 : vector<16xf32>
      %ne3A_107 = arith.cmpi ne, %get3A_90, %get3A_98 : vector<16xi32>
      %or3A_108 = arith.ori %eq3A_14, %ne3A_107 : vector<16xi1>
      tpu.vector_store_idx %arg7[%get3A_90], %masked_cumsum3A_105 masked %or3A_108 {add = true} : memref<10240xf32, #tpu.memory_space<vmem>>[vector<16xi32>], vector<16xf32>, vector<16xi1>
      %neg3A_109 = arith.constant 0.000000e+00 : f32
      %neg3A_110 = vector.broadcast %neg3A_109 : f32 to vector<16xf32>
      %neg3A_111 = arith.subf %neg3A_110, %sub3A_106 : vector<16xf32>
      %ne3A_112 = arith.cmpi ne, %get3A_90, %get3A_94 : vector<16xi32>
      %or3A_113 = arith.ori %eq3A_11, %ne3A_112 : vector<16xi1>
      tpu.vector_store_idx %arg7[%get3A_90], %neg3A_111 masked %or3A_113 {add = true} : memref<10240xf32, #tpu.memory_space<vmem>>[vector<16xi32>], vector<16xf32>, vector<16xi1>
      %mul3A_114 = arith.constant 8 : i32
      %mul3A_115 = arith.muli %scan3A_21, %mul3A_114 : i32
      %add3A_116 = arith.constant 3 : i32
      %add3A_117 = arith.addi %mul3A_115, %add3A_116 : i32
      %mul3A_118 = arith.constant 16 : i32
      %mul3A_119 = arith.muli %add3A_117, %mul3A_118 : i32
      %add3A_120 = arith.constant 16 : i32
      %add3A_121 = arith.addi %add3A_120, %mul3A_119 : i32
      %get3A_122 = arith.index_cast %add3A_121 : i32 to index
      %get3A_123 = tpu.vector_load %arg5[%get3A_122] {strides = array<i32>} : memref<7200xi32, #tpu.memory_space<vmem>>, vector<16xi32>,
      %sub3A_124 = arith.constant 1 : i32
      %sub3A_125 = arith.subi %add3A_121, %sub3A_124 : i32
      %get3A_126 = arith.index_cast %sub3A_125 : i32 to index
      %get3A_127 = tpu.vector_load %arg5[%get3A_126] {strides = array<i32>} : memref<7200xi32, #tpu.memory_space<vmem>>, vector<16xi32>,
      %add3A_128 = arith.constant 1 : i32
      %add3A_129 = arith.addi %add3A_121, %add3A_128 : i32
      %get3A_130 = arith.index_cast %add3A_129 : i32 to index
      %get3A_131 = tpu.vector_load %arg5[%get3A_130] {strides = array<i32>} : memref<7200xi32, #tpu.memory_space<vmem>>, vector<16xi32>,
      %sub3A_132 = arith.constant 16 : i32
      %sub3A_133 = arith.subi %add3A_121, %sub3A_132 : i32
      %get3A_134 = arith.index_cast %sub3A_133 : i32 to index
      %get3A_135 = tpu.vector_load %arg6[%get3A_134] {strides = array<i32>} : memref<7168xf32, #tpu.memory_space<vmem>>, vector<16xf32>,
      %broadcast_in_dim3A_136 = arith.constant true
      %broadcast_in_dim3A_137 = vector.broadcast %broadcast_in_dim3A_136 : i1 to vector<16xi1>
      %masked_cumsum3A_138 = tpu.scan <sum>, %get3A_135 masked %broadcast_in_dim3A_137 : vector<16xf32>, vector<16xi1> -> vector<16xf32>
      %sub3A_139 = arith.subf %masked_cumsum3A_138, %get3A_135 : vector<16xf32>
      %ne3A_140 = arith.cmpi ne, %get3A_123, %get3A_131 : vector<16xi32>
      %or3A_141 = arith.ori %eq3A_14, %ne3A_140 : vector<16xi1>
      tpu.vector_store_idx %arg7[%get3A_123], %masked_cumsum3A_138 masked %or3A_141 {add = true} : memref<10240xf32, #tpu.memory_space<vmem>>[vector<16xi32>], vector<16xf32>, vector<16xi1>
      %neg3A_142 = arith.constant 0.000000e+00 : f32
      %neg3A_143 = vector.broadcast %neg3A_142 : f32 to vector<16xf32>
      %neg3A_144 = arith.subf %neg3A_143, %sub3A_139 : vector<16xf32>
      %ne3A_145 = arith.cmpi ne, %get3A_123, %get3A_127 : vector<16xi32>
      %or3A_146 = arith.ori %eq3A_11, %ne3A_145 : vector<16xi1>
      tpu.vector_store_idx %arg7[%get3A_123], %neg3A_144 masked %or3A_146 {add = true} : memref<10240xf32, #tpu.memory_space<vmem>>[vector<16xi32>], vector<16xf32>, vector<16xi1>
      %mul3A_147 = arith.constant 8 : i32
      %mul3A_148 = arith.muli %scan3A_21, %mul3A_147 : i32
      %add3A_149 = arith.constant 4 : i32
      %add3A_150 = arith.addi %mul3A_148, %add3A_149 : i32
      %mul3A_151 = arith.constant 16 : i32
      %mul3A_152 = arith.muli %add3A_150, %mul3A_151 : i32
      %add3A_153 = arith.constant 16 : i32
      %add3A_154 = arith.addi %add3A_153, %mul3A_152 : i32
      %get3A_155 = arith.index_cast %add3A_154 : i32 to index
      %get3A_156 = tpu.vector_load %arg5[%get3A_155] {strides = array<i32>} : memref<7200xi32, #tpu.memory_space<vmem>>, vector<16xi32>,
      %sub3A_157 = arith.constant 1 : i32
      %sub3A_158 = arith.subi %add3A_154, %sub3A_157 : i32
      %get3A_159 = arith.index_cast %sub3A_158 : i32 to index
      %get3A_160 = tpu.vector_load %arg5[%get3A_159] {strides = array<i32>} : memref<7200xi32, #tpu.memory_space<vmem>>, vector<16xi32>,
      %add3A_161 = arith.constant 1 : i32
      %add3A_162 = arith.addi %add3A_154, %add3A_161 : i32
      %get3A_163 = arith.index_cast %add3A_162 : i32 to index
      %get3A_164 = tpu.vector_load %arg5[%get3A_163] {strides = array<i32>} : memref<7200xi32, #tpu.memory_space<vmem>>, vector<16xi32>,
      %sub3A_165 = arith.constant 16 : i32
      %sub3A_166 = arith.subi %add3A_154, %sub3A_165 : i32
      %get3A_167 = arith.index_cast %sub3A_166 : i32 to index
      %get3A_168 = tpu.vector_load %arg6[%get3A_167] {strides = array<i32>} : memref<7168xf32, #tpu.memory_space<vmem>>, vector<16xf32>,
      %broadcast_in_dim3A_169 = arith.constant true
      %broadcast_in_dim3A_170 = vector.broadcast %broadcast_in_dim3A_169 : i1 to vector<16xi1>
      %masked_cumsum3A_171 = tpu.scan <sum>, %get3A_168 masked %broadcast_in_dim3A_170 : vector<16xf32>, vector<16xi1> -> vector<16xf32>
      %sub3A_172 = arith.subf %masked_cumsum3A_171, %get3A_168 : vector<16xf32>
      %ne3A_173 = arith.cmpi ne, %get3A_156, %get3A_164 : vector<16xi32>
      %or3A_174 = arith.ori %eq3A_14, %ne3A_173 : vector<16xi1>
      tpu.vector_store_idx %arg7[%get3A_156], %masked_cumsum3A_171 masked %or3A_174 {add = true} : memref<10240xf32, #tpu.memory_space<vmem>>[vector<16xi32>], vector<16xf32>, vector<16xi1>
      %neg3A_175 = arith.constant 0.000000e+00 : f32
      %neg3A_176 = vector.broadcast %neg3A_175 : f32 to vector<16xf32>
      %neg3A_177 = arith.subf %neg3A_176, %sub3A_172 : vector<16xf32>
      %ne3A_178 = arith.cmpi ne, %get3A_156, %get3A_160 : vector<16xi32>
      %or3A_179 = arith.ori %eq3A_11, %ne3A_178 : vector<16xi1>
      tpu.vector_store_idx %arg7[%get3A_156], %neg3A_177 masked %or3A_179 {add = true} : memref<10240xf32, #tpu.memory_space<vmem>>[vector<16xi32>], vector<16xf32>, vector<16xi1>
      %mul3A_180 = arith.constant 8 : i32
      %mul3A_181 = arith.muli %scan3A_21, %mul3A_180 : i32
      %add3A_182 = arith.constant 5 : i32
      %add3A_183 = arith.addi %mul3A_181, %add3A_182 : i32
      %mul3A_184 = arith.constant 16 : i32
      %mul3A_185 = arith.muli %add3A_183, %mul3A_184 : i32
      %add3A_186 = arith.constant 16 : i32
      %add3A_187 = arith.addi %add3A_186, %mul3A_185 : i32
      %get3A_188 = arith.index_cast %add3A_187 : i32 to index
      %get3A_189 = tpu.vector_load %arg5[%get3A_188] {strides = array<i32>} : memref<7200xi32, #tpu.memory_space<vmem>>, vector<16xi32>,
      %sub3A_190 = arith.constant 1 : i32
      %sub3A_191 = arith.subi %add3A_187, %sub3A_190 : i32
      %get3A_192 = arith.index_cast %sub3A_191 : i32 to index
      %get3A_193 = tpu.vector_load %arg5[%get3A_192] {strides = array<i32>} : memref<7200xi32, #tpu.memory_space<vmem>>, vector<16xi32>,
      %add3A_194 = arith.constant 1 : i32
      %add3A_195 = arith.addi %add3A_187, %add3A_194 : i32
      %get3A_196 = arith.index_cast %add3A_195 : i32 to index
      %get3A_197 = tpu.vector_load %arg5[%get3A_196] {strides = array<i32>} : memref<7200xi32, #tpu.memory_space<vmem>>, vector<16xi32>,
      %sub3A_198 = arith.constant 16 : i32
      %sub3A_199 = arith.subi %add3A_187, %sub3A_198 : i32
      %get3A_200 = arith.index_cast %sub3A_199 : i32 to index
      %get3A_201 = tpu.vector_load %arg6[%get3A_200] {strides = array<i32>} : memref<7168xf32, #tpu.memory_space<vmem>>, vector<16xf32>,
      %broadcast_in_dim3A_202 = arith.constant true
      %broadcast_in_dim3A_203 = vector.broadcast %broadcast_in_dim3A_202 : i1 to vector<16xi1>
      %masked_cumsum3A_204 = tpu.scan <sum>, %get3A_201 masked %broadcast_in_dim3A_203 : vector<16xf32>, vector<16xi1> -> vector<16xf32>
      %sub3A_205 = arith.subf %masked_cumsum3A_204, %get3A_201 : vector<16xf32>
      %ne3A_206 = arith.cmpi ne, %get3A_189, %get3A_197 : vector<16xi32>
      %or3A_207 = arith.ori %eq3A_14, %ne3A_206 : vector<16xi1>
      tpu.vector_store_idx %arg7[%get3A_189], %masked_cumsum3A_204 masked %or3A_207 {add = true} : memref<10240xf32, #tpu.memory_space<vmem>>[vector<16xi32>], vector<16xf32>, vector<16xi1>
      %neg3A_208 = arith.constant 0.000000e+00 : f32
      %neg3A_209 = vector.broadcast %neg3A_208 : f32 to vector<16xf32>
      %neg3A_210 = arith.subf %neg3A_209, %sub3A_205 : vector<16xf32>
      %ne3A_211 = arith.cmpi ne, %get3A_189, %get3A_193 : vector<16xi32>
      %or3A_212 = arith.ori %eq3A_11, %ne3A_211 : vector<16xi1>
      tpu.vector_store_idx %arg7[%get3A_189], %neg3A_210 masked %or3A_212 {add = true} : memref<10240xf32, #tpu.memory_space<vmem>>[vector<16xi32>], vector<16xf32>, vector<16xi1>
      %mul3A_213 = arith.constant 8 : i32
      %mul3A_214 = arith.muli %scan3A_21, %mul3A_213 : i32
      %add3A_215 = arith.constant 6 : i32
      %add3A_216 = arith.addi %mul3A_214, %add3A_215 : i32
      %mul3A_217 = arith.constant 16 : i32
      %mul3A_218 = arith.muli %add3A_216, %mul3A_217 : i32
      %add3A_219 = arith.constant 16 : i32
      %add3A_220 = arith.addi %add3A_219, %mul3A_218 : i32
      %get3A_221 = arith.index_cast %add3A_220 : i32 to index
      %get3A_222 = tpu.vector_load %arg5[%get3A_221] {strides = array<i32>} : memref<7200xi32, #tpu.memory_space<vmem>>, vector<16xi32>,
      %sub3A_223 = arith.constant 1 : i32
      %sub3A_224 = arith.subi %add3A_220, %sub3A_223 : i32
      %get3A_225 = arith.index_cast %sub3A_224 : i32 to index
      %get3A_226 = tpu.vector_load %arg5[%get3A_225] {strides = array<i32>} : memref<7200xi32, #tpu.memory_space<vmem>>, vector<16xi32>,
      %add3A_227 = arith.constant 1 : i32
      %add3A_228 = arith.addi %add3A_220, %add3A_227 : i32
      %get3A_229 = arith.index_cast %add3A_228 : i32 to index
      %get3A_230 = tpu.vector_load %arg5[%get3A_229] {strides = array<i32>} : memref<7200xi32, #tpu.memory_space<vmem>>, vector<16xi32>,
      %sub3A_231 = arith.constant 16 : i32
      %sub3A_232 = arith.subi %add3A_220, %sub3A_231 : i32
      %get3A_233 = arith.index_cast %sub3A_232 : i32 to index
      %get3A_234 = tpu.vector_load %arg6[%get3A_233] {strides = array<i32>} : memref<7168xf32, #tpu.memory_space<vmem>>, vector<16xf32>,
      %broadcast_in_dim3A_235 = arith.constant true
      %broadcast_in_dim3A_236 = vector.broadcast %broadcast_in_dim3A_235 : i1 to vector<16xi1>
      %masked_cumsum3A_237 = tpu.scan <sum>, %get3A_234 masked %broadcast_in_dim3A_236 : vector<16xf32>, vector<16xi1> -> vector<16xf32>
      %sub3A_238 = arith.subf %masked_cumsum3A_237, %get3A_234 : vector<16xf32>
      %ne3A_239 = arith.cmpi ne, %get3A_222, %get3A_230 : vector<16xi32>
      %or3A_240 = arith.ori %eq3A_14, %ne3A_239 : vector<16xi1>
      tpu.vector_store_idx %arg7[%get3A_222], %masked_cumsum3A_237 masked %or3A_240 {add = true} : memref<10240xf32, #tpu.memory_space<vmem>>[vector<16xi32>], vector<16xf32>, vector<16xi1>
      %neg3A_241 = arith.constant 0.000000e+00 : f32
      %neg3A_242 = vector.broadcast %neg3A_241 : f32 to vector<16xf32>
      %neg3A_243 = arith.subf %neg3A_242, %sub3A_238 : vector<16xf32>
      %ne3A_244 = arith.cmpi ne, %get3A_222, %get3A_226 : vector<16xi32>
      %or3A_245 = arith.ori %eq3A_11, %ne3A_244 : vector<16xi1>
      tpu.vector_store_idx %arg7[%get3A_222], %neg3A_243 masked %or3A_245 {add = true} : memref<10240xf32, #tpu.memory_space<vmem>>[vector<16xi32>], vector<16xf32>, vector<16xi1>
      %mul3A_246 = arith.constant 8 : i32
      %mul3A_247 = arith.muli %scan3A_21, %mul3A_246 : i32
      %add3A_248 = arith.constant 7 : i32
      %add3A_249 = arith.addi %mul3A_247, %add3A_248 : i32
      %mul3A_250 = arith.constant 16 : i32
      %mul3A_251 = arith.muli %add3A_249, %mul3A_250 : i32
      %add3A_252 = arith.constant 16 : i32
      %add3A_253 = arith.addi %add3A_252, %mul3A_251 : i32
      %get3A_254 = arith.index_cast %add3A_253 : i32 to index
      %get3A_255 = tpu.vector_load %arg5[%get3A_254] {strides = array<i32>} : memref<7200xi32, #tpu.memory_space<vmem>>, vector<16xi32>,
      %sub3A_256 = arith.constant 1 : i32
      %sub3A_257 = arith.subi %add3A_253, %sub3A_256 : i32
      %get3A_258 = arith.index_cast %sub3A_257 : i32 to index
      %get3A_259 = tpu.vector_load %arg5[%get3A_258] {strides = array<i32>} : memref<7200xi32, #tpu.memory_space<vmem>>, vector<16xi32>,
      %add3A_260 = arith.constant 1 : i32
      %add3A_261 = arith.addi %add3A_253, %add3A_260 : i32
      %get3A_262 = arith.index_cast %add3A_261 : i32 to index
      %get3A_263 = tpu.vector_load %arg5[%get3A_262] {strides = array<i32>} : memref<7200xi32, #tpu.memory_space<vmem>>, vector<16xi32>,
      %sub3A_264 = arith.constant 16 : i32
      %sub3A_265 = arith.subi %add3A_253, %sub3A_264 : i32
      %get3A_266 = arith.index_cast %sub3A_265 : i32 to index
      %get3A_267 = tpu.vector_load %arg6[%get3A_266] {strides = array<i32>} : memref<7168xf32, #tpu.memory_space<vmem>>, vector<16xf32>,
      %broadcast_in_dim3A_268 = arith.constant true
      %broadcast_in_dim3A_269 = vector.broadcast %broadcast_in_dim3A_268 : i1 to vector<16xi1>
      %masked_cumsum3A_270 = tpu.scan <sum>, %get3A_267 masked %broadcast_in_dim3A_269 : vector<16xf32>, vector<16xi1> -> vector<16xf32>
      %sub3A_271 = arith.subf %masked_cumsum3A_270, %get3A_267 : vector<16xf32>
      %ne3A_272 = arith.cmpi ne, %get3A_255, %get3A_263 : vector<16xi32>
      %or3A_273 = arith.ori %eq3A_14, %ne3A_272 : vector<16xi1>
      tpu.vector_store_idx %arg7[%get3A_255], %masked_cumsum3A_270 masked %or3A_273 {add = true} : memref<10240xf32, #tpu.memory_space<vmem>>[vector<16xi32>], vector<16xf32>, vector<16xi1>
      %neg3A_274 = arith.constant 0.000000e+00 : f32
      %neg3A_275 = vector.broadcast %neg3A_274 : f32 to vector<16xf32>
      %neg3A_276 = arith.subf %neg3A_275, %sub3A_271 : vector<16xf32>
      %ne3A_277 = arith.cmpi ne, %get3A_255, %get3A_259 : vector<16xi32>
      %or3A_278 = arith.ori %eq3A_11, %ne3A_277 : vector<16xi1>
      tpu.vector_store_idx %arg7[%get3A_255], %neg3A_276 masked %or3A_278 {add = true} : memref<10240xf32, #tpu.memory_space<vmem>>[vector<16xi32>], vector<16xf32>, vector<16xi1>
    }
    %scan3A_20 = arith.constant 56 : i32
    "tpu.region"() ({
      %run_scoped3A = tpu.sem_alloc : memref<!tpu.dma_semaphore, #tpu.memory_space<semaphore_mem>>
      %dma_start3A = arith.constant 0 : i32
      %dma_start3A_21 = tpu.memref_slice %arg4[%add3A, %dma_start3A] : memref<32x10240xf32, #tpu.memory_space<hbm>> -> memref<1x10240xf32, #tpu.memory_space<hbm>>
      %dma_start3A_22 = tpu.memref_squeeze %dma_start3A_21 : memref<1x10240xf32, #tpu.memory_space<hbm>> -> memref<10240xf32, #tpu.memory_space<hbm>>
      %dma_start3A_23 = arith.constant 0 : i32
      %dma_start3A_24 = tpu.memref_slice %arg4[%add3A, %dma_start3A_23] : memref<32x10240xf32, #tpu.memory_space<hbm>> -> memref<1x10240xf32, #tpu.memory_space<hbm>>
      %dma_start3A_25 = tpu.memref_squeeze %dma_start3A_24 : memref<1x10240xf32, #tpu.memory_space<hbm>> -> memref<10240xf32, #tpu.memory_space<hbm>>
      tpu.enqueue_dma source(%arg7 : memref<10240xf32, #tpu.memory_space<vmem>>) target(%dma_start3A_25 : memref<10240xf32, #tpu.memory_space<hbm>>) target_semaphore(%run_scoped3A : memref<!tpu.dma_semaphore, #tpu.memory_space<semaphore_mem>>)
      %dma_wait3A = arith.constant 0 : i32
      %dma_wait3A_26 = tpu.memref_slice %arg4[%add3A, %dma_wait3A] : memref<32x10240xf32, #tpu.memory_space<hbm>> -> memref<1x10240xf32, #tpu.memory_space<hbm>>
      %dma_wait3A_27 = tpu.memref_squeeze %dma_wait3A_26 : memref<1x10240xf32, #tpu.memory_space<hbm>> -> memref<10240xf32, #tpu.memory_space<hbm>>
      %dma_wait3A_28 = arith.constant 0 : i32
      %dma_wait3A_29 = tpu.memref_slice %arg4[%add3A, %dma_wait3A_28] : memref<32x10240xf32, #tpu.memory_space<hbm>> -> memref<1x10240xf32, #tpu.memory_space<hbm>>
      %dma_wait3A_30 = tpu.memref_squeeze %dma_wait3A_29 : memref<1x10240xf32, #tpu.memory_space<hbm>> -> memref<10240xf32, #tpu.memory_space<hbm>>
      tpu.wait_dma2 semaphore(%run_scoped3A : memref<!tpu.dma_semaphore, #tpu.memory_space<semaphore_mem>>) src(%arg7 : memref<10240xf32, #tpu.memory_space<vmem>>) dst(%dma_wait3A_30 : memref<10240xf32, #tpu.memory_space<hbm>>)
      tpu.yield
    }) : () -> ()
    return
  }
}

#map = affine_map<(d0, d1) -> (0)>
#map1 = affine_map<(d0, d1) -> (0, 0)>
module attributes {stable_mosaic.version = 14 : i64} {
  func.func @body(%arg0: i32, %arg1: i32, %arg2: memref<90624xf32, #tpu.memory_space<hbm>>, %arg3: memref<320000xi32, #tpu.memory_space<hbm>>, %arg4: memref<32x10240xf32, #tpu.memory_space<hbm>>, %arg5: memref<2864xi32, #tpu.memory_space<vmem>>, %arg6: memref<2832xf32, #tpu.memory_space<vmem>>, %arg7: memref<10240xf32, #tpu.memory_space<vmem>>) attributes {dimension_semantics = [#tpu.dimension_semantics<core_parallel>, #tpu.dimension_semantics<subcore_parallel>], iteration_bounds = array<i64: 2, 16>, scalar_prefetch = 0 : i64, scratch_operands = 3 : i64, tpu.core_type = #tpu.core_type<sc_vector_subcore>, window_params = [{transform_indices = #map}, {transform_indices = #map}, {transform_indices = #map1}]} {
    %mul3A = arith.constant 2 : i32
    %mul3A_0 = arith.muli %arg1, %mul3A : i32
    %add3A = arith.addi %mul3A_0, %arg0 : i32
    %mul3A_1 = arith.constant 2832 : i32
    %mul3A_2 = arith.muli %add3A, %mul3A_1 : i32
    %add3A_3 = arith.constant 229376 : i32
    %add3A_4 = arith.addi %add3A_3, %mul3A_2 : i32
    "tpu.region"() ({
      %run_scoped3A = tpu.sem_alloc : memref<!tpu.dma_semaphore, #tpu.memory_space<semaphore_mem>>
      %dma_start3A = arith.constant 16 : i32
      %dma_start3A_21 = tpu.memref_slice %arg5[%dma_start3A] : memref<2864xi32, #tpu.memory_space<vmem>> -> memref<2832xi32, #tpu.memory_space<vmem>>
      %dma_start3A_22 = tpu.memref_slice %arg3[%add3A_4] : memref<320000xi32, #tpu.memory_space<hbm>> -> memref<2832xi32, #tpu.memory_space<hbm>>
      %dma_start3A_23 = arith.constant 16 : i32
      %dma_start3A_24 = tpu.memref_slice %arg5[%dma_start3A_23] : memref<2864xi32, #tpu.memory_space<vmem>> -> memref<2832xi32, #tpu.memory_space<vmem>>
      %dma_start3A_25 = tpu.memref_slice %arg3[%add3A_4] : memref<320000xi32, #tpu.memory_space<hbm>> -> memref<2832xi32, #tpu.memory_space<hbm>>
      tpu.enqueue_dma source(%dma_start3A_25 : memref<2832xi32, #tpu.memory_space<hbm>>) target(%dma_start3A_24 : memref<2832xi32, #tpu.memory_space<vmem>>) target_semaphore(%run_scoped3A : memref<!tpu.dma_semaphore, #tpu.memory_space<semaphore_mem>>)
      %dma_wait3A = arith.constant 16 : i32
      %dma_wait3A_26 = tpu.memref_slice %arg5[%dma_wait3A] : memref<2864xi32, #tpu.memory_space<vmem>> -> memref<2832xi32, #tpu.memory_space<vmem>>
      %dma_wait3A_27 = tpu.memref_slice %arg3[%add3A_4] : memref<320000xi32, #tpu.memory_space<hbm>> -> memref<2832xi32, #tpu.memory_space<hbm>>
      %dma_wait3A_28 = arith.constant 16 : i32
      %dma_wait3A_29 = tpu.memref_slice %arg5[%dma_wait3A_28] : memref<2864xi32, #tpu.memory_space<vmem>> -> memref<2832xi32, #tpu.memory_space<vmem>>
      %dma_wait3A_30 = tpu.memref_slice %arg3[%add3A_4] : memref<320000xi32, #tpu.memory_space<hbm>> -> memref<2832xi32, #tpu.memory_space<hbm>>
      tpu.wait_dma2 semaphore(%run_scoped3A : memref<!tpu.dma_semaphore, #tpu.memory_space<semaphore_mem>>) src(%dma_wait3A_30 : memref<2832xi32, #tpu.memory_space<hbm>>) dst(%dma_wait3A_29 : memref<2832xi32, #tpu.memory_space<vmem>>)
      tpu.yield
    }) : () -> ()
    "tpu.region"() ({
      %run_scoped3A = tpu.sem_alloc : memref<!tpu.dma_semaphore, #tpu.memory_space<semaphore_mem>>
      %dma_start3A = tpu.memref_slice %arg2[%mul3A_2] : memref<90624xf32, #tpu.memory_space<hbm>> -> memref<2832xf32, #tpu.memory_space<hbm>>
      %dma_start3A_21 = tpu.memref_slice %arg2[%mul3A_2] : memref<90624xf32, #tpu.memory_space<hbm>> -> memref<2832xf32, #tpu.memory_space<hbm>>
      tpu.enqueue_dma source(%dma_start3A_21 : memref<2832xf32, #tpu.memory_space<hbm>>) target(%arg6 : memref<2832xf32, #tpu.memory_space<vmem>>) target_semaphore(%run_scoped3A : memref<!tpu.dma_semaphore, #tpu.memory_space<semaphore_mem>>)
      %dma_wait3A = tpu.memref_slice %arg2[%mul3A_2] : memref<90624xf32, #tpu.memory_space<hbm>> -> memref<2832xf32, #tpu.memory_space<hbm>>
      %dma_wait3A_22 = tpu.memref_slice %arg2[%mul3A_2] : memref<90624xf32, #tpu.memory_space<hbm>> -> memref<2832xf32, #tpu.memory_space<hbm>>
      tpu.wait_dma2 semaphore(%run_scoped3A : memref<!tpu.dma_semaphore, #tpu.memory_space<semaphore_mem>>) src(%dma_wait3A_22 : memref<2832xf32, #tpu.memory_space<hbm>>) dst(%arg6 : memref<2832xf32, #tpu.memory_space<vmem>>)
      tpu.yield
    }) : () -> ()
    %scan3A = arith.constant 0 : i32
    %scan3A_5 = arith.constant 0 : i32
    %scan3A_6 = arith.constant 160 : i32
    %scan3A_7 = arith.addi %scan3A_5, %scan3A_6 : i32
    %scan3A_8 = arith.constant 1 : i32
    scf.for %scan3A_21 = %scan3A_5 to %scan3A_7 step %scan3A_8  : i32 {
      %broadcast_in_dim3A = arith.constant 0.000000e+00 : f32
      %broadcast_in_dim3A_22 = vector.broadcast %broadcast_in_dim3A : f32 to vector<16xf32>
      %mul3A_23 = arith.constant 4 : i32
      %mul3A_24 = arith.muli %scan3A_21, %mul3A_23 : i32
      %add3A_25 = arith.constant 0 : i32
      %add3A_26 = arith.addi %mul3A_24, %add3A_25 : i32
      %mul3A_27 = arith.constant 16 : i32
      %mul3A_28 = arith.muli %add3A_26, %mul3A_27 : i32
      %swap3A = arith.index_cast %mul3A_28 : i32 to index
      %swap3A_29 = tpu.vector_load %arg7[%swap3A] {strides = array<i32>} : memref<10240xf32, #tpu.memory_space<vmem>>, vector<16xf32>,
      tpu.vector_store %arg7[%swap3A], %broadcast_in_dim3A_22 {strides = array<i32>} : memref<10240xf32, #tpu.memory_space<vmem>>, vector<16xf32>,
      %broadcast_in_dim3A_30 = arith.constant 0.000000e+00 : f32
      %broadcast_in_dim3A_31 = vector.broadcast %broadcast_in_dim3A_30 : f32 to vector<16xf32>
      %mul3A_32 = arith.constant 4 : i32
      %mul3A_33 = arith.muli %scan3A_21, %mul3A_32 : i32
      %add3A_34 = arith.constant 1 : i32
      %add3A_35 = arith.addi %mul3A_33, %add3A_34 : i32
      %mul3A_36 = arith.constant 16 : i32
      %mul3A_37 = arith.muli %add3A_35, %mul3A_36 : i32
      %swap3A_38 = arith.index_cast %mul3A_37 : i32 to index
      %swap3A_39 = tpu.vector_load %arg7[%swap3A_38] {strides = array<i32>} : memref<10240xf32, #tpu.memory_space<vmem>>, vector<16xf32>,
      tpu.vector_store %arg7[%swap3A_38], %broadcast_in_dim3A_31 {strides = array<i32>} : memref<10240xf32, #tpu.memory_space<vmem>>, vector<16xf32>,
      %broadcast_in_dim3A_40 = arith.constant 0.000000e+00 : f32
      %broadcast_in_dim3A_41 = vector.broadcast %broadcast_in_dim3A_40 : f32 to vector<16xf32>
      %mul3A_42 = arith.constant 4 : i32
      %mul3A_43 = arith.muli %scan3A_21, %mul3A_42 : i32
      %add3A_44 = arith.constant 2 : i32
      %add3A_45 = arith.addi %mul3A_43, %add3A_44 : i32
      %mul3A_46 = arith.constant 16 : i32
      %mul3A_47 = arith.muli %add3A_45, %mul3A_46 : i32
      %swap3A_48 = arith.index_cast %mul3A_47 : i32 to index
      %swap3A_49 = tpu.vector_load %arg7[%swap3A_48] {strides = array<i32>} : memref<10240xf32, #tpu.memory_space<vmem>>, vector<16xf32>,
      tpu.vector_store %arg7[%swap3A_48], %broadcast_in_dim3A_41 {strides = array<i32>} : memref<10240xf32, #tpu.memory_space<vmem>>, vector<16xf32>,
      %broadcast_in_dim3A_50 = arith.constant 0.000000e+00 : f32
      %broadcast_in_dim3A_51 = vector.broadcast %broadcast_in_dim3A_50 : f32 to vector<16xf32>
      %mul3A_52 = arith.constant 4 : i32
      %mul3A_53 = arith.muli %scan3A_21, %mul3A_52 : i32
      %add3A_54 = arith.constant 3 : i32
      %add3A_55 = arith.addi %mul3A_53, %add3A_54 : i32
      %mul3A_56 = arith.constant 16 : i32
      %mul3A_57 = arith.muli %add3A_55, %mul3A_56 : i32
      %swap3A_58 = arith.index_cast %mul3A_57 : i32 to index
      %swap3A_59 = tpu.vector_load %arg7[%swap3A_58] {strides = array<i32>} : memref<10240xf32, #tpu.memory_space<vmem>>, vector<16xf32>,
      tpu.vector_store %arg7[%swap3A_58], %broadcast_in_dim3A_51 {strides = array<i32>} : memref<10240xf32, #tpu.memory_space<vmem>>, vector<16xf32>,
    }
    %scan3A_9 = arith.constant 160 : i32
    %iota3A = tpu.iota {dimensions = array<i32: 0>} : vector<16xi32>
    %eq3A = arith.constant 0 : i32
    %eq3A_10 = vector.broadcast %eq3A : i32 to vector<16xi32>
    %eq3A_11 = arith.cmpi eq, %iota3A, %eq3A_10 : vector<16xi32>
    %eq3A_12 = arith.constant 15 : i32
    %eq3A_13 = vector.broadcast %eq3A_12 : i32 to vector<16xi32>
    %eq3A_14 = arith.cmpi eq, %iota3A, %eq3A_13 : vector<16xi32>
    %scan3A_15 = arith.constant 0 : i32
    %scan3A_16 = arith.constant 0 : i32
    %scan3A_17 = arith.constant 59 : i32
    %scan3A_18 = arith.addi %scan3A_16, %scan3A_17 : i32
    %scan3A_19 = arith.constant 1 : i32
    scf.for %scan3A_21 = %scan3A_16 to %scan3A_18 step %scan3A_19  : i32 {
      %mul3A_22 = arith.constant 3 : i32
      %mul3A_23 = arith.muli %scan3A_21, %mul3A_22 : i32
      %add3A_24 = arith.constant 0 : i32
      %add3A_25 = arith.addi %mul3A_23, %add3A_24 : i32
      %mul3A_26 = arith.constant 16 : i32
      %mul3A_27 = arith.muli %add3A_25, %mul3A_26 : i32
      %add3A_28 = arith.constant 16 : i32
      %add3A_29 = arith.addi %add3A_28, %mul3A_27 : i32
      %get3A = arith.index_cast %add3A_29 : i32 to index
      %get3A_30 = tpu.vector_load %arg5[%get3A] {strides = array<i32>} : memref<2864xi32, #tpu.memory_space<vmem>>, vector<16xi32>,
      %sub3A = arith.constant 1 : i32
      %sub3A_31 = arith.subi %add3A_29, %sub3A : i32
      %get3A_32 = arith.index_cast %sub3A_31 : i32 to index
      %get3A_33 = tpu.vector_load %arg5[%get3A_32] {strides = array<i32>} : memref<2864xi32, #tpu.memory_space<vmem>>, vector<16xi32>,
      %add3A_34 = arith.constant 1 : i32
      %add3A_35 = arith.addi %add3A_29, %add3A_34 : i32
      %get3A_36 = arith.index_cast %add3A_35 : i32 to index
      %get3A_37 = tpu.vector_load %arg5[%get3A_36] {strides = array<i32>} : memref<2864xi32, #tpu.memory_space<vmem>>, vector<16xi32>,
      %sub3A_38 = arith.constant 16 : i32
      %sub3A_39 = arith.subi %add3A_29, %sub3A_38 : i32
      %get3A_40 = arith.index_cast %sub3A_39 : i32 to index
      %get3A_41 = tpu.vector_load %arg6[%get3A_40] {strides = array<i32>} : memref<2832xf32, #tpu.memory_space<vmem>>, vector<16xf32>,
      %broadcast_in_dim3A = arith.constant true
      %broadcast_in_dim3A_42 = vector.broadcast %broadcast_in_dim3A : i1 to vector<16xi1>
      %masked_cumsum3A = tpu.scan <sum>, %get3A_41 masked %broadcast_in_dim3A_42 : vector<16xf32>, vector<16xi1> -> vector<16xf32>
      %sub3A_43 = arith.subf %masked_cumsum3A, %get3A_41 : vector<16xf32>
      %ne3A = arith.cmpi ne, %get3A_30, %get3A_37 : vector<16xi32>
      %or3A = arith.ori %eq3A_14, %ne3A : vector<16xi1>
      tpu.vector_store_idx %arg7[%get3A_30], %masked_cumsum3A masked %or3A {add = true} : memref<10240xf32, #tpu.memory_space<vmem>>[vector<16xi32>], vector<16xf32>, vector<16xi1>
      %neg3A = arith.constant 0.000000e+00 : f32
      %neg3A_44 = vector.broadcast %neg3A : f32 to vector<16xf32>
      %neg3A_45 = arith.subf %neg3A_44, %sub3A_43 : vector<16xf32>
      %ne3A_46 = arith.cmpi ne, %get3A_30, %get3A_33 : vector<16xi32>
      %or3A_47 = arith.ori %eq3A_11, %ne3A_46 : vector<16xi1>
      tpu.vector_store_idx %arg7[%get3A_30], %neg3A_45 masked %or3A_47 {add = true} : memref<10240xf32, #tpu.memory_space<vmem>>[vector<16xi32>], vector<16xf32>, vector<16xi1>
      %mul3A_48 = arith.constant 3 : i32
      %mul3A_49 = arith.muli %scan3A_21, %mul3A_48 : i32
      %add3A_50 = arith.constant 1 : i32
      %add3A_51 = arith.addi %mul3A_49, %add3A_50 : i32
      %mul3A_52 = arith.constant 16 : i32
      %mul3A_53 = arith.muli %add3A_51, %mul3A_52 : i32
      %add3A_54 = arith.constant 16 : i32
      %add3A_55 = arith.addi %add3A_54, %mul3A_53 : i32
      %get3A_56 = arith.index_cast %add3A_55 : i32 to index
      %get3A_57 = tpu.vector_load %arg5[%get3A_56] {strides = array<i32>} : memref<2864xi32, #tpu.memory_space<vmem>>, vector<16xi32>,
      %sub3A_58 = arith.constant 1 : i32
      %sub3A_59 = arith.subi %add3A_55, %sub3A_58 : i32
      %get3A_60 = arith.index_cast %sub3A_59 : i32 to index
      %get3A_61 = tpu.vector_load %arg5[%get3A_60] {strides = array<i32>} : memref<2864xi32, #tpu.memory_space<vmem>>, vector<16xi32>,
      %add3A_62 = arith.constant 1 : i32
      %add3A_63 = arith.addi %add3A_55, %add3A_62 : i32
      %get3A_64 = arith.index_cast %add3A_63 : i32 to index
      %get3A_65 = tpu.vector_load %arg5[%get3A_64] {strides = array<i32>} : memref<2864xi32, #tpu.memory_space<vmem>>, vector<16xi32>,
      %sub3A_66 = arith.constant 16 : i32
      %sub3A_67 = arith.subi %add3A_55, %sub3A_66 : i32
      %get3A_68 = arith.index_cast %sub3A_67 : i32 to index
      %get3A_69 = tpu.vector_load %arg6[%get3A_68] {strides = array<i32>} : memref<2832xf32, #tpu.memory_space<vmem>>, vector<16xf32>,
      %broadcast_in_dim3A_70 = arith.constant true
      %broadcast_in_dim3A_71 = vector.broadcast %broadcast_in_dim3A_70 : i1 to vector<16xi1>
      %masked_cumsum3A_72 = tpu.scan <sum>, %get3A_69 masked %broadcast_in_dim3A_71 : vector<16xf32>, vector<16xi1> -> vector<16xf32>
      %sub3A_73 = arith.subf %masked_cumsum3A_72, %get3A_69 : vector<16xf32>
      %ne3A_74 = arith.cmpi ne, %get3A_57, %get3A_65 : vector<16xi32>
      %or3A_75 = arith.ori %eq3A_14, %ne3A_74 : vector<16xi1>
      tpu.vector_store_idx %arg7[%get3A_57], %masked_cumsum3A_72 masked %or3A_75 {add = true} : memref<10240xf32, #tpu.memory_space<vmem>>[vector<16xi32>], vector<16xf32>, vector<16xi1>
      %neg3A_76 = arith.constant 0.000000e+00 : f32
      %neg3A_77 = vector.broadcast %neg3A_76 : f32 to vector<16xf32>
      %neg3A_78 = arith.subf %neg3A_77, %sub3A_73 : vector<16xf32>
      %ne3A_79 = arith.cmpi ne, %get3A_57, %get3A_61 : vector<16xi32>
      %or3A_80 = arith.ori %eq3A_11, %ne3A_79 : vector<16xi1>
      tpu.vector_store_idx %arg7[%get3A_57], %neg3A_78 masked %or3A_80 {add = true} : memref<10240xf32, #tpu.memory_space<vmem>>[vector<16xi32>], vector<16xf32>, vector<16xi1>
      %mul3A_81 = arith.constant 3 : i32
      %mul3A_82 = arith.muli %scan3A_21, %mul3A_81 : i32
      %add3A_83 = arith.constant 2 : i32
      %add3A_84 = arith.addi %mul3A_82, %add3A_83 : i32
      %mul3A_85 = arith.constant 16 : i32
      %mul3A_86 = arith.muli %add3A_84, %mul3A_85 : i32
      %add3A_87 = arith.constant 16 : i32
      %add3A_88 = arith.addi %add3A_87, %mul3A_86 : i32
      %get3A_89 = arith.index_cast %add3A_88 : i32 to index
      %get3A_90 = tpu.vector_load %arg5[%get3A_89] {strides = array<i32>} : memref<2864xi32, #tpu.memory_space<vmem>>, vector<16xi32>,
      %sub3A_91 = arith.constant 1 : i32
      %sub3A_92 = arith.subi %add3A_88, %sub3A_91 : i32
      %get3A_93 = arith.index_cast %sub3A_92 : i32 to index
      %get3A_94 = tpu.vector_load %arg5[%get3A_93] {strides = array<i32>} : memref<2864xi32, #tpu.memory_space<vmem>>, vector<16xi32>,
      %add3A_95 = arith.constant 1 : i32
      %add3A_96 = arith.addi %add3A_88, %add3A_95 : i32
      %get3A_97 = arith.index_cast %add3A_96 : i32 to index
      %get3A_98 = tpu.vector_load %arg5[%get3A_97] {strides = array<i32>} : memref<2864xi32, #tpu.memory_space<vmem>>, vector<16xi32>,
      %sub3A_99 = arith.constant 16 : i32
      %sub3A_100 = arith.subi %add3A_88, %sub3A_99 : i32
      %get3A_101 = arith.index_cast %sub3A_100 : i32 to index
      %get3A_102 = tpu.vector_load %arg6[%get3A_101] {strides = array<i32>} : memref<2832xf32, #tpu.memory_space<vmem>>, vector<16xf32>,
      %broadcast_in_dim3A_103 = arith.constant true
      %broadcast_in_dim3A_104 = vector.broadcast %broadcast_in_dim3A_103 : i1 to vector<16xi1>
      %masked_cumsum3A_105 = tpu.scan <sum>, %get3A_102 masked %broadcast_in_dim3A_104 : vector<16xf32>, vector<16xi1> -> vector<16xf32>
      %sub3A_106 = arith.subf %masked_cumsum3A_105, %get3A_102 : vector<16xf32>
      %ne3A_107 = arith.cmpi ne, %get3A_90, %get3A_98 : vector<16xi32>
      %or3A_108 = arith.ori %eq3A_14, %ne3A_107 : vector<16xi1>
      tpu.vector_store_idx %arg7[%get3A_90], %masked_cumsum3A_105 masked %or3A_108 {add = true} : memref<10240xf32, #tpu.memory_space<vmem>>[vector<16xi32>], vector<16xf32>, vector<16xi1>
      %neg3A_109 = arith.constant 0.000000e+00 : f32
      %neg3A_110 = vector.broadcast %neg3A_109 : f32 to vector<16xf32>
      %neg3A_111 = arith.subf %neg3A_110, %sub3A_106 : vector<16xf32>
      %ne3A_112 = arith.cmpi ne, %get3A_90, %get3A_94 : vector<16xi32>
      %or3A_113 = arith.ori %eq3A_11, %ne3A_112 : vector<16xi1>
      tpu.vector_store_idx %arg7[%get3A_90], %neg3A_111 masked %or3A_113 {add = true} : memref<10240xf32, #tpu.memory_space<vmem>>[vector<16xi32>], vector<16xf32>, vector<16xi1>
    }
    %scan3A_20 = arith.constant 59 : i32
    "tpu.region"() ({
      %run_scoped3A = tpu.sem_alloc : memref<!tpu.dma_semaphore, #tpu.memory_space<semaphore_mem>>
      %dma_start3A = arith.constant 0 : i32
      %dma_start3A_21 = tpu.memref_slice %arg4[%add3A, %dma_start3A] : memref<32x10240xf32, #tpu.memory_space<hbm>> -> memref<1x10240xf32, #tpu.memory_space<hbm>>
      %dma_start3A_22 = tpu.memref_squeeze %dma_start3A_21 : memref<1x10240xf32, #tpu.memory_space<hbm>> -> memref<10240xf32, #tpu.memory_space<hbm>>
      %dma_start3A_23 = arith.constant 0 : i32
      %dma_start3A_24 = tpu.memref_slice %arg4[%add3A, %dma_start3A_23] : memref<32x10240xf32, #tpu.memory_space<hbm>> -> memref<1x10240xf32, #tpu.memory_space<hbm>>
      %dma_start3A_25 = tpu.memref_squeeze %dma_start3A_24 : memref<1x10240xf32, #tpu.memory_space<hbm>> -> memref<10240xf32, #tpu.memory_space<hbm>>
      tpu.enqueue_dma source(%arg7 : memref<10240xf32, #tpu.memory_space<vmem>>) target(%dma_start3A_25 : memref<10240xf32, #tpu.memory_space<hbm>>) target_semaphore(%run_scoped3A : memref<!tpu.dma_semaphore, #tpu.memory_space<semaphore_mem>>)
      %dma_wait3A = arith.constant 0 : i32
      %dma_wait3A_26 = tpu.memref_slice %arg4[%add3A, %dma_wait3A] : memref<32x10240xf32, #tpu.memory_space<hbm>> -> memref<1x10240xf32, #tpu.memory_space<hbm>>
      %dma_wait3A_27 = tpu.memref_squeeze %dma_wait3A_26 : memref<1x10240xf32, #tpu.memory_space<hbm>> -> memref<10240xf32, #tpu.memory_space<hbm>>
      %dma_wait3A_28 = arith.constant 0 : i32
      %dma_wait3A_29 = tpu.memref_slice %arg4[%add3A, %dma_wait3A_28] : memref<32x10240xf32, #tpu.memory_space<hbm>> -> memref<1x10240xf32, #tpu.memory_space<hbm>>
      %dma_wait3A_30 = tpu.memref_squeeze %dma_wait3A_29 : memref<1x10240xf32, #tpu.memory_space<hbm>> -> memref<10240xf32, #tpu.memory_space<hbm>>
      tpu.wait_dma2 semaphore(%run_scoped3A : memref<!tpu.dma_semaphore, #tpu.memory_space<semaphore_mem>>) src(%arg7 : memref<10240xf32, #tpu.memory_space<vmem>>) dst(%dma_wait3A_30 : memref<10240xf32, #tpu.memory_space<hbm>>)
      tpu.yield
    }) : () -> ()
    return
  }
}

module attributes {stable_mosaic.version = 14 : i64} {
  func.func @_mlp_body(%arg0: i32, %arg1: memref<32768x128xf32, #tpu.memory_space<vmem>>, %arg2: memref<128x64xf32, #tpu.memory_space<vmem>>, %arg3: memref<64xf32, #tpu.memory_space<vmem>>, %arg4: memref<1x64xf32, #tpu.memory_space<vmem>>, %arg5: memref<1xf32, #tpu.memory_space<smem>>, %arg6: memref<32768xf32, #tpu.memory_space<vmem>>) attributes {dimension_semantics = [#tpu.dimension_semantics<arbitrary>], iteration_bounds = array<i64: 7>, scalar_prefetch = 0 : i64, scratch_operands = 0 : i64, tpu.core_type = #tpu.core_type<tc>, window_params = [{transform_indices = @transform_0, window_bounds = array<i64: 32768, 128>}, {pipeline_mode = #tpu.pipeline_mode<synchronous>, transform_indices = @transform_1, window_bounds = array<i64: 128, 64>}, {pipeline_mode = #tpu.pipeline_mode<synchronous>, transform_indices = @transform_2, window_bounds = array<i64: 64>}, {pipeline_mode = #tpu.pipeline_mode<synchronous>, transform_indices = @transform_3, window_bounds = array<i64: 1, 64>}, {transform_indices = @transform_4, window_bounds = array<i64: 1>}, {transform_indices = @transform_5, window_bounds = array<i64: 32768>}]} {
    %get3A = arith.constant 0 : index
    %get3A_0 = arith.constant 0 : index
    %get3A_1 = vector.load %arg1[%get3A, %get3A_0] : memref<32768x128xf32, #tpu.memory_space<vmem>>, vector<32768x128xf32>
    %get3A_2 = arith.constant 0 : index
    %get3A_3 = arith.constant 0 : index
    %get3A_4 = vector.load %arg2[%get3A_2, %get3A_3] : memref<128x64xf32, #tpu.memory_space<vmem>>, vector<128x64xf32>
    %dot_general3A = arith.constant dense<0.000000e+00> : vector<32768x64xf32>
    %dot_general3A_5 = tpu.matmul %get3A_1, %get3A_4, %dot_general3A {dimension_numbers = #tpu.dot_dimension_numbers<[1], [0], [0], [1], [0, 0, 1, 1], [], []>, transpose_lhs_hint = false} : vector<32768x128xf32>, vector<128x64xf32>, vector<32768x64xf32> -> vector<32768x64xf32>
    %get3A_6 = arith.constant 0 : index
    %get3A_7 = vector.load %arg3[%get3A_6] : memref<64xf32, #tpu.memory_space<vmem>>, vector<64xf32>
    %broadcast_in_dim3A = vector.shape_cast %get3A_7 : vector<64xf32> to vector<1x64xf32>
    %add3A = vector.broadcast %broadcast_in_dim3A : vector<1x64xf32> to vector<32768x64xf32>
    %add3A_8 = arith.addf %dot_general3A_5, %add3A : vector<32768x64xf32>
    %logistic3A = arith.negf %add3A_8 : vector<32768x64xf32>
    %logistic3A_9 = math.exp %logistic3A : vector<32768x64xf32>
    %logistic3A_10 = arith.constant 1.000000e+00 : f32
    %logistic3A_11 = vector.broadcast %logistic3A_10 : f32 to vector<32768x64xf32>
    %logistic3A_12 = arith.addf %logistic3A_11, %logistic3A_9 : vector<32768x64xf32>
    %logistic3A_13 = arith.divf %logistic3A_11, %logistic3A_12 : vector<32768x64xf32>
    %mul3A = arith.mulf %add3A_8, %logistic3A_13 : vector<32768x64xf32>
    %get3A_14 = arith.constant 0 : index
    %get3A_15 = arith.constant 0 : index
    %get3A_16 = vector.load %arg4[%get3A_14, %get3A_15] : memref<1x64xf32, #tpu.memory_space<vmem>>, vector<1x64xf32>
    %dot_general3A_17 = arith.constant dense<0.000000e+00> : vector<1x32768xf32>
    %dot_general3A_18 = tpu.matmul %get3A_16, %mul3A, %dot_general3A_17 {dimension_numbers = #tpu.dot_dimension_numbers<[1], [1], [0], [0], [0, 0, 1, 0], [], []>, transpose_lhs_hint = false} : vector<1x64xf32>, vector<32768x64xf32>, vector<1x32768xf32> -> vector<1x32768xf32>
    %squeeze3A = vector.shape_cast %dot_general3A_18 : vector<1x32768xf32> to vector<32768xf32>
    %get3A_19 = arith.constant 0 : index
    %get3A_20 = memref.load %arg5[%get3A_19] : memref<1xf32, #tpu.memory_space<smem>>
    %add3A_21 = vector.broadcast %get3A_20 : f32 to vector<32768xf32>
    %add3A_22 = arith.addf %squeeze3A, %add3A_21 : vector<32768xf32>
    %swap3A = arith.constant 0 : index
    %swap3A_23 = vector.load %arg6[%swap3A] : memref<32768xf32, #tpu.memory_space<vmem>>, vector<32768xf32>
    tpu.vector_store %arg6[%swap3A], %add3A_22 {strides = array<i32>} : memref<32768xf32, #tpu.memory_space<vmem>>, vector<32768xf32>,
    return
  }
  func.func @transform_0(%arg0: i32) -> (i32, i32) {
    %add3A = arith.constant 0 : i32
    %add3A_0 = arith.addi %add3A, %arg0 : i32
    %c0_i32 = arith.constant 0 : i32
    %c0_i32_1 = arith.constant 0 : i32
    return %add3A_0, %c0_i32 : i32, i32
  }
  func.func @transform_1(%arg0: i32) -> (i32, i32) {
    %c0_i32 = arith.constant 0 : i32
    %c0_i32_0 = arith.constant 0 : i32
    %c0_i32_1 = arith.constant 0 : i32
    return %c0_i32, %c0_i32_0 : i32, i32
  }
  func.func @transform_2(%arg0: i32) -> i32 {
    %c0_i32 = arith.constant 0 : i32
    %c0_i32_0 = arith.constant 0 : i32
    return %c0_i32 : i32
  }
  func.func @transform_3(%arg0: i32) -> (i32, i32) {
    %c0_i32 = arith.constant 0 : i32
    %c0_i32_0 = arith.constant 0 : i32
    %c0_i32_1 = arith.constant 0 : i32
    return %c0_i32, %c0_i32_0 : i32, i32
  }
  func.func @transform_4(%arg0: i32) -> i32 {
    %c0_i32 = arith.constant 0 : i32
    %c0_i32_0 = arith.constant 0 : i32
    return %c0_i32 : i32
  }
  func.func @transform_5(%arg0: i32) -> i32 {
    %c0_i32 = arith.constant 0 : i32
    return %arg0 : i32
  }
}

module attributes {stable_mosaic.version = 14 : i64} {
  func.func @_reduce_body(%arg0: memref<32x10240xf32, #tpu.memory_space<vmem>>, %arg1: memref<32x10240xf32, #tpu.memory_space<vmem>>, %arg2: memref<10000xf32, #tpu.memory_space<vmem>>) attributes {dimension_semantics = [], scalar_prefetch = 0 : i64, scratch_operands = 0 : i64, tpu.core_type = #tpu.core_type<tc>} {
    %get3A = arith.constant 0 : index
    %get3A_0 = arith.constant 0 : index
    %get3A_1 = vector.load %arg0[%get3A, %get3A_0] : memref<32x10240xf32, #tpu.memory_space<vmem>>, vector<32x10240xf32>
    %reduce_sum3A = arith.constant dense<0.000000e+00> : vector<10240xf32>
    %reduce_sum3A_2 = vector.multi_reduction <add>, %get3A_1, %reduce_sum3A [0] : vector<32x10240xf32> to vector<10240xf32>
    %get3A_3 = arith.constant 0 : index
    %get3A_4 = arith.constant 0 : index
    %get3A_5 = vector.load %arg1[%get3A_3, %get3A_4] : memref<32x10240xf32, #tpu.memory_space<vmem>>, vector<32x10240xf32>
    %reduce_sum3A_6 = arith.constant dense<0.000000e+00> : vector<10240xf32>
    %reduce_sum3A_7 = vector.multi_reduction <add>, %get3A_5, %reduce_sum3A_6 [0] : vector<32x10240xf32> to vector<10240xf32>
    %add3A = arith.addf %reduce_sum3A_2, %reduce_sum3A_7 : vector<10240xf32>
    %slice3A = vector.extract_strided_slice %add3A {offsets = [0], sizes = [10000], strides = [1]} : vector<10240xf32> to vector<10000xf32>
    %swap3A = arith.constant 0 : index
    %swap3A_8 = vector.load %arg2[%swap3A] : memref<10000xf32, #tpu.memory_space<vmem>>, vector<10000xf32>
    tpu.vector_store %arg2[%swap3A], %slice3A {strides = array<i32>} : memref<10000xf32, #tpu.memory_space<vmem>>, vector<10000xf32>,
    return
  }
}

module attributes {stable_mosaic.version = 14 : i64} {
  func.func @_mlp_body(%arg0: i32, %arg1: memref<16384x128xf32, #tpu.memory_space<vmem>>, %arg2: memref<128x64xf32, #tpu.memory_space<vmem>>, %arg3: memref<64xf32, #tpu.memory_space<vmem>>, %arg4: memref<1x64xf32, #tpu.memory_space<vmem>>, %arg5: memref<1xf32, #tpu.memory_space<smem>>, %arg6: memref<16384xf32, #tpu.memory_space<vmem>>) attributes {dimension_semantics = [#tpu.dimension_semantics<arbitrary>], iteration_bounds = array<i64: 6>, scalar_prefetch = 0 : i64, scratch_operands = 0 : i64, tpu.core_type = #tpu.core_type<tc>, window_params = [{transform_indices = @transform_0, window_bounds = array<i64: 16384, 128>}, {pipeline_mode = #tpu.pipeline_mode<synchronous>, transform_indices = @transform_1, window_bounds = array<i64: 128, 64>}, {pipeline_mode = #tpu.pipeline_mode<synchronous>, transform_indices = @transform_2, window_bounds = array<i64: 64>}, {pipeline_mode = #tpu.pipeline_mode<synchronous>, transform_indices = @transform_3, window_bounds = array<i64: 1, 64>}, {transform_indices = @transform_4, window_bounds = array<i64: 1>}, {transform_indices = @transform_5, window_bounds = array<i64: 16384>}]} {
    %get3A = arith.constant 0 : index
    %get3A_0 = arith.constant 0 : index
    %get3A_1 = vector.load %arg1[%get3A, %get3A_0] : memref<16384x128xf32, #tpu.memory_space<vmem>>, vector<16384x128xf32>
    %get3A_2 = arith.constant 0 : index
    %get3A_3 = arith.constant 0 : index
    %get3A_4 = vector.load %arg2[%get3A_2, %get3A_3] : memref<128x64xf32, #tpu.memory_space<vmem>>, vector<128x64xf32>
    %dot_general3A = arith.constant dense<0.000000e+00> : vector<16384x64xf32>
    %dot_general3A_5 = tpu.matmul %get3A_1, %get3A_4, %dot_general3A {dimension_numbers = #tpu.dot_dimension_numbers<[1], [0], [0], [1], [0, 0, 1, 1], [], []>, transpose_lhs_hint = false} : vector<16384x128xf32>, vector<128x64xf32>, vector<16384x64xf32> -> vector<16384x64xf32>
    %get3A_6 = arith.constant 0 : index
    %get3A_7 = vector.load %arg3[%get3A_6] : memref<64xf32, #tpu.memory_space<vmem>>, vector<64xf32>
    %broadcast_in_dim3A = vector.shape_cast %get3A_7 : vector<64xf32> to vector<1x64xf32>
    %add3A = vector.broadcast %broadcast_in_dim3A : vector<1x64xf32> to vector<16384x64xf32>
    %add3A_8 = arith.addf %dot_general3A_5, %add3A : vector<16384x64xf32>
    %logistic3A = arith.negf %add3A_8 : vector<16384x64xf32>
    %logistic3A_9 = math.exp %logistic3A : vector<16384x64xf32>
    %logistic3A_10 = arith.constant 1.000000e+00 : f32
    %logistic3A_11 = vector.broadcast %logistic3A_10 : f32 to vector<16384x64xf32>
    %logistic3A_12 = arith.addf %logistic3A_11, %logistic3A_9 : vector<16384x64xf32>
    %logistic3A_13 = arith.divf %logistic3A_11, %logistic3A_12 : vector<16384x64xf32>
    %mul3A = arith.mulf %add3A_8, %logistic3A_13 : vector<16384x64xf32>
    %get3A_14 = arith.constant 0 : index
    %get3A_15 = arith.constant 0 : index
    %get3A_16 = vector.load %arg4[%get3A_14, %get3A_15] : memref<1x64xf32, #tpu.memory_space<vmem>>, vector<1x64xf32>
    %dot_general3A_17 = arith.constant dense<0.000000e+00> : vector<1x16384xf32>
    %dot_general3A_18 = tpu.matmul %get3A_16, %mul3A, %dot_general3A_17 {dimension_numbers = #tpu.dot_dimension_numbers<[1], [1], [0], [0], [0, 0, 1, 0], [], []>, transpose_lhs_hint = false} : vector<1x64xf32>, vector<16384x64xf32>, vector<1x16384xf32> -> vector<1x16384xf32>
    %squeeze3A = vector.shape_cast %dot_general3A_18 : vector<1x16384xf32> to vector<16384xf32>
    %get3A_19 = arith.constant 0 : index
    %get3A_20 = memref.load %arg5[%get3A_19] : memref<1xf32, #tpu.memory_space<smem>>
    %add3A_21 = vector.broadcast %get3A_20 : f32 to vector<16384xf32>
    %add3A_22 = arith.addf %squeeze3A, %add3A_21 : vector<16384xf32>
    %swap3A = arith.constant 0 : index
    %swap3A_23 = vector.load %arg6[%swap3A] : memref<16384xf32, #tpu.memory_space<vmem>>, vector<16384xf32>
    tpu.vector_store %arg6[%swap3A], %add3A_22 {strides = array<i32>} : memref<16384xf32, #tpu.memory_space<vmem>>, vector<16384xf32>,
    return
  }
  func.func @transform_0(%arg0: i32) -> (i32, i32) {
    %add3A = arith.constant 14 : i32
    %add3A_0 = arith.addi %add3A, %arg0 : i32
    %c0_i32 = arith.constant 0 : i32
    %c0_i32_1 = arith.constant 0 : i32
    return %add3A_0, %c0_i32 : i32, i32
  }
  func.func @transform_1(%arg0: i32) -> (i32, i32) {
    %c0_i32 = arith.constant 0 : i32
    %c0_i32_0 = arith.constant 0 : i32
    %c0_i32_1 = arith.constant 0 : i32
    return %c0_i32, %c0_i32_0 : i32, i32
  }
  func.func @transform_2(%arg0: i32) -> i32 {
    %c0_i32 = arith.constant 0 : i32
    %c0_i32_0 = arith.constant 0 : i32
    return %c0_i32 : i32
  }
  func.func @transform_3(%arg0: i32) -> (i32, i32) {
    %c0_i32 = arith.constant 0 : i32
    %c0_i32_0 = arith.constant 0 : i32
    %c0_i32_1 = arith.constant 0 : i32
    return %c0_i32, %c0_i32_0 : i32, i32
  }
  func.func @transform_4(%arg0: i32) -> i32 {
    %c0_i32 = arith.constant 0 : i32
    %c0_i32_0 = arith.constant 0 : i32
    return %c0_i32 : i32
  }
  func.func @transform_5(%arg0: i32) -> i32 {
    %c0_i32 = arith.constant 0 : i32
    return %arg0 : i32
  }
}

</mosaic_0001>

<sc_bundles>
// kernel: kernel.10.cloned.1.call-start
scs
__scs_entry_jumppad:
0x0: {  	(pc) =	sbr.rel $0x88, $3  }
0x1: {  	(tag) =	ssettag $0x0;
	lr =	simm.s32 $0x1  }
0x2: {  	[smem:$0x3F9B] =	sst lr;
	_ =	strace $0xD0000000  }
0x3: {  	_ = 	snop  }
0x4: {  	_ = 	snop  }
0x5: {  	_ = 	snop  }
0x6: {  	_ = 	snop  }
0x7: {  	_ = 	snop  }
__scs_overlays_trampoline_lowered:
0x8: {  	[smem:$0x3FAA] =	sst s0  }
0x9: {  	[smem:$0x3FAB] =	sst s1  }
0xa: {  	[smem:$0x3FAC] =	sst s2  }
0xb: {  	[smem:$0x3FAD] =	sst s3  }
0xc: {  	[smem:$0x3FAE] =	sst s4  }
0xd: {  	[smem:$0x3FAF] =	sst s5  }
0xe: {  	[smem:$0x3FB0] =	sst s6  }
0xf: {  	[smem:$0x3FB1] =	sst s7  }
0x10: {  	[smem:$0x3FB2] =	sst s8  }
0x11: {  	[smem:$0x3FB3] =	sst s9;
	s0 =	simm.s32 @!p0 $0x0  }
0x12: {  	s1 =	sld [smem:$0x3F99];
	s0 =	simm.s32 @p0 $0x1  }
0x13: {  	[smem:$0x3FB4] =	sst s0;
	s0 =	simm.s32 @!p1 $0x0  }
0x14: {  	s2 =	sld [smem:$0x3F98];
	s0 =	simm.s32 @p1 $0x1  }
0x15: {  	[smem:$0x3FB5] =	sst s0;
	s0 =	simm.s32 @!p2 $0x0  }
0x16: {  	s3 =	sld [smem:$0x3FDB];
	s0 =	simm.s32 @p2 $0x1  }
0x17: {  	s4 =	simm.s32 $0x1BF5;
	[smem:$0x3FB7] =	sst s0  }
0x18: {  	s0 =	sld [smem:$0x3F9A];
	_ =	swait.ge [sflag:s4], $0x0  }
0x19: {  	s7 =	sld [smem:$0x3F9B]  }
0x1a: {  	s8 =	sadd.s32 $0xFFFFE003, lr  }
0x1b: {  	s9 =	sadd.s32 $0xFFFFFEF7, lr;
	s5 =	simm.s32 $0xFFFFFFFF;
	p2 =	slt.u32 s8, $0xFFFFF086  }
0x1c: {  	p1 =	slt.u32 s9, $0xF7A;
	s5 =	simm.s32 @!p2 $0x0  }
0x1d: {  	s5 =	simm.s32 @p1 $0x1;
	p0 =	seq.s32 s7, s2  }
0x1e: {  	s7 =	smul.u32 @!p0 $0xF7A, s2;
	p2 =	seq.s32 @!p0 s5, $0x0  }
0x1f: {  	s9 =	smul.u32 $0xF7A, s1;
	s8 =	simm.s32 @!p0 $0x1BF5;
	p2 =	por !p2, p0  }
0x20: {  	[sflag:s8] =	ssyncset.s32 @!p0 $0xFFFFF086;
	s6 =	sadd.s32 @!p0 s3, s7;
	s7 =	simm.s32 @!p0 $0x108  }
0x21: {  	s3 =	sadd.s32 s3, s9;
	s6 =	sadd.s32 @!p0 $0x88, s6;
	s7 =	simm.s32 @p2 $0x1082  }
0x22: {  	[simem:s7], [sflag:s8] =	dma.local @!p0 [hbm:s6], $0xF7A  }
0x23: {  	s9 =	sor.u32 $0xD0000000, s2;
	s6 =	simm.s32 $0x108;
	_ =	swait.ge @!p0 [sflag:s8], $0x0  }
0x24: {  	s3 =	sadd.s32 $0x88, s3;
	s6 =	simm.s32 @!p1 $0x1082;
	[sflag:s4] =	ssyncset.s32 $0xFFFFF086  }
0x25: {  	[simem:s6], [sflag:s4] =	dma.local [hbm:s3], $0xF7A  }
0x26: {  	[smem:$0x3F9B] =	sst s1;
	(tag) =	ssettag s2;
	_ =	strace s9  }
0x27: {  	s1 =	sld [smem:$0x3FAB]  }
0x28: {  	s2 =	sld [smem:$0x3FAC]  }
0x29: {  	s4 =	sld [smem:$0x3FAE]  }
0x2a: {  	p0 =	seq.s32 s5, $0x0;
	s5 =	sld [smem:$0x3FAF]  }
0x2b: {  	s6 =	sld [smem:$0x3FB0]  }
0x2c: {  	s7 =	sld [smem:$0x3FB1]  }
0x2d: {  	s3 =	simm.s32 $0x108;
	s8 =	sld [smem:$0x3FB2]  }
0x2e: {  	s3 =	simm.s32 @!p0 $0x1082;
	s9 =	sld [smem:$0x3FB3]  }
0x2f: {  	lr =	sadd.s32 s0, s3;
	s0 =	sld [smem:$0x3FAA]  }
0x30: {  	s3 =	sld [smem:$0x3FAD]  }
0x31: {  	[smem:$0x3FB6] =	sst s10  }
0x32: {  	s10 =	sld [smem:$0x3FB4];
	_ =	sdelay $0x3  }
0x33: {  	p0 =	seq.s32 s10, $0x1;
	s10 =	sld [smem:$0x3FB6];
	_ =	sdelay $0x3  }
0x34: {  	[smem:$0x3FB6] =	sst s10  }
0x35: {  	s10 =	sld [smem:$0x3FB5];
	_ =	sdelay $0x3  }
0x36: {  	p1 =	seq.s32 s10, $0x1;
	s10 =	sld [smem:$0x3FB6];
	_ =	sdelay $0x3  }
0x37: {  	[smem:$0x3FB6] =	sst s10  }
0x38: {  	s10 =	sld [smem:$0x3FB7]  }
0x39: {  	_ = 	snop;
	(pc) =	sbr.ind lr, $3  }
0x3a: {  	_ = 	snop  }
0x3b: {  	_ = 	snop  }
0x3c: {  	p2 =	seq.s32 s10, $0x1;
	s10 =	sld [smem:$0x3FB6]  }
0x3d: {  	_ =	shalt  }
0x3e: {  	_ =	shalt  }
0x3f: {  	_ =	shalt  }
0x40: {  	_ =	shalt  }
0x41: {  	_ =	shalt  }
0x42: {  	_ =	shalt  }
0x43: {  	_ =	shalt  }
0x44: {  	_ =	shalt  }
0x45: {  	_ =	shalt  }
0x46: {  	_ =	shalt  }
0x47: {  	_ =	shalt  }
0x48: {  	_ =	shalt  }
0x49: {  	_ =	shalt  }
0x4a: {  	_ =	shalt  }
0x4b: {  	_ =	shalt  }
0x4c: {  	_ =	shalt  }
0x4d: {  	_ =	shalt  }
0x4e: {  	_ =	shalt  }
0x4f: {  	_ =	shalt  }
0x50: {  	_ =	shalt  }
0x51: {  	_ =	shalt  }
0x52: {  	_ =	shalt  }
0x53: {  	_ =	shalt  }
0x54: {  	_ =	shalt  }
0x55: {  	_ =	shalt  }
0x56: {  	_ =	shalt  }
0x57: {  	_ =	shalt  }
0x58: {  	_ =	shalt  }
0x59: {  	_ =	shalt  }
0x5a: {  	_ =	shalt  }
0x5b: {  	_ =	shalt  }
0x5c: {  	_ =	shalt  }
0x5d: {  	_ =	shalt  }
0x5e: {  	_ =	shalt  }
0x5f: {  	_ =	shalt  }
0x60: {  	_ =	shalt  }
0x61: {  	_ =	shalt  }
0x62: {  	_ =	shalt  }
0x63: {  	_ =	shalt  }
0x64: {  	_ =	shalt  }
0x65: {  	_ =	shalt  }
0x66: {  	_ =	shalt  }
0x67: {  	_ =	shalt  }
0x68: {  	_ =	shalt  }
0x69: {  	_ =	shalt  }
0x6a: {  	_ =	shalt  }
0x6b: {  	_ =	shalt  }
0x6c: {  	_ =	shalt  }
0x6d: {  	_ =	shalt  }
0x6e: {  	_ =	shalt  }
0x6f: {  	_ =	shalt  }
0x70: {  	_ =	shalt  }
0x71: {  	_ =	shalt  }
0x72: {  	_ =	shalt  }
0x73: {  	_ =	shalt  }
0x74: {  	_ =	shalt  }
0x75: {  	_ =	shalt  }
0x76: {  	_ =	shalt  }
0x77: {  	_ =	shalt  }
0x78: {  	_ =	shalt  }
0x79: {  	_ =	shalt  }
0x7a: {  	_ =	shalt  }
0x7b: {  	_ =	shalt  }
0x7c: {  	_ =	shalt  }
0x7d: {  	_ =	shalt  }
0x7e: {  	_ =	shalt  }
0x7f: {  	_ =	shalt  }
0x80: {  	_ =	shalt  }
0x81: {  	_ =	shalt  }
0x82: {  	_ =	shalt  }
0x83: {  	_ =	shalt  }
0x84: {  	_ =	shalt  }
0x85: {  	_ =	shalt  }
0x86: {  	_ =	shalt  }
0x87: {  	_ =	shalt  }
.Lfunc_end0:
.L_simem_size_0:
called_computation.1_lowered:
.L_overlay_start_0:
0x88: {  	s2 =	sld [smem:$0x3FD9]  }
0x89: {  	s3 =	sld [smem:$0x3FFE];
	_ =	sdelay $0x1  }
0x8a: {  	s1 =	srdreg.scid  }
0x8b: {  	s0 =	sand.u32 $0x1, s1  }
0x8c: {  	s17 =	sshll.u32 s0, $0xA;
	s2 =	sadd.s32 s3, s2  }
0x8d: {  	s2 =	sadd.s32 s2, s17  }
0x8e: {  	[smem:$0x3FC2] =	sst s2  }
0x8f: {  	_ = 	snop  }
0x90: {  	s18 =	sld [smem:$0x3FC8];
	(tm) =	ssettm $0x1  }
0x91: {  	s19 =	sld [smem:$0x3FFB];
	_ =	sdelay $0x3  }
0x92: {  	_ =	strace s19  }
0x93: {  	s2 =	sld [smem:$0x3FFC];
	_ =	sdelay $0x3  }
0x94: {  	_ =	strace s2  }
0x95: {  	s2 =	sld [smem:$0x3FFD];
	_ =	sdelay $0x3  }
0x96: {  	_ =	strace s2  }
0x97: {  	_ =	strace $0x8FFFFFFF  }
0x98: {  	s20 =	sld [smem:$0x3FDB];
	_ =	sdelay $0x1  }
0x99: {  	s4 =	simm.s32 $_scs_section_size  }
0x9a: {  	s5 =	simm.s32 $_size__tile_overlayer_lowered;
	s6 =	simm.s32 $_tile_overlayer_lowered  }
0x9b: {  	s7 =	simm.s32 $0x1BFF;
	s21 =	sshll.u32 s6, $0x1;
	s4 =	sadd.s32 s4, s20  }
0x9c: {  	s22 =	simm.s32 $0x0;
	s5 =	sshll.u32 s5, $0x1;
	s6 =	sadd.s32 s21, s4  }
0x9d: {  	[timem:s22], [sflag:s7] =	dma.local [hbm:s6], s5  }
0x9e: {  	_ =	swait.ge [sflag:s7], s5  }
0x9f: {  	s5 =	ssub.s32 $0x0, s5;
	[sflag:s7] =	ssyncset.done $0x0  }
0xa0: {  	[sflag:s7] =	ssyncadd.s32 s5;
	_ =	sdelay $0x1  }
0xa1: {  	s23 =	simm.s32 $0x1B8B  }
0xa2: {  	_ =	swait.ge [sflag:s23], $0x1  }
0xa3: {  	[sflag:s23] =	ssyncset.done $0x0  }
0xa4: {  	[sflag:s23] =	ssyncadd.s32 $0xFFFFFFFF  }
0xa5: {  	s5 =	sld [smem:$0x0]  }
0xa6: {  	s6 =	sand.u32 $0xFFFFFFFE, s1  }
0xa7: {  	p0 =	sne.s32 s1, s6  }
0xa8: {  	s6 =	sshll.u32 @p0 s6, $0xE  }
0xa9: {  	s6 =	sadd.s32 @p0 $0x11B8D, s6;
	s7 =	sshll.u32 @p0 s5, $0x11  }
0xaa: {  	s6 =	sor.u32 @p0 s7, s6  }
0xab: {  	[sflag:s6] =	ssyncadd.remote.s32 @p0 $0x1;
	_ =	sdelay $0x1  }
0xac: {  	s6 =	simm.s32 @p0 $0x1B8D  }
0xad: {  	_ =	swait.eq @p0 [sflag:s6], $0x1  }
0xae: {  	[sflag:s6] =	ssyncadd.s32 @p0 $0xFFFFFFFF  }
0xaf: {  	s7 =	sshll.u32 @!p0 s1, $0xE  }
0xb0: {  	s7 =	sor.u32 @!p0 $0x4000, s7;
	s6 =	simm.s32 @!p0 $0x1B8D  }
0xb1: {  	s5 =	sshll.u32 @!p0 s5, $0x11;
	s7 =	sadd.s32 @!p0 $0x11B8D, s7;
	_ =	swait.eq @!p0 [sflag:s6], $0x1  }
0xb2: {  	s5 =	sor.u32 @!p0 s5, s7;
	[sflag:s6] =	ssyncadd.s32 @!p0 $0xFFFFFFFF  }
0xb3: {  	s25 =	simm.s32 $0x1B8E;
	s24 =	sld [smem:$0x3FFE];
	[sflag:s5] =	ssyncadd.remote.s32 @!p0 $0x1  }
0xb4: {  	s26 =	simm.s32 $execute0_lowered;
	[smem:$0x3FD2] =	sst s25  }
0xb5: {  	s6 =	sshll.u32 s26, $0x1;
	_ =	strace $0x80000049;
	[dreg:$0x1] =	wrdreg $0xFFFFFFFF  }
0xb6: {  	s28 =	simm.s32 $_size_execute0_lowered;
	s4 =	sadd.s32 s4, s6;
	[dreg:$0x0] =	wrdreg $0x0  }
0xb7: {  	s6 =	sshll.u32 s28, $0x1;
	[dreg:$0x2] =	wrdreg s4  }
0xb8: {  	[dreg:$0x3] =	wrdreg s6  }
0xb9: {  	[dreg:$0x4] =	wrdreg $0xC0  }
0xba: {  	_ =	task [dreg:s22], $0x5FFFF  }
0xbb: {  	[dreg:$0x1] =	wrdreg $0xFFFFFFFF  }
0xbc: {  	[dreg:$0x0] =	wrdreg $0x60  }
0xbd: {  	[dreg:$0x2] =	wrdreg s24  }
0xbe: {  	[dreg:$0x3] =	wrdreg s18  }
0xbf: {  	[dreg:$0x4] =	wrdreg $0xA  }
0xc0: {  	_ =	task.clear_ibuf [dreg:s22], $0x5FFFF;
	_ =	strace $0x90000049  }
0xc1: {  	s29 =	simm.s32 $0xA;
	_ =	strace $0x8000004B  }
0xc2: {  	_ =	swait.ge [sflag:s29], $0x1  }
0xc3: {  	[sflag:s29] =	ssyncadd.s32 $0xFFFFFFFF  }
0xc4: {  	_ =	strace $0x9000004B  }
0xc5: {  	_ =	sfence  }
0xc6: {  	s30 =	sld [smem:$0x0];
	_ =	sdelay $0x2  }
0xc7: {  	s31 =	sshll.u32 s1, $0xD;
	s1 =	sshrl.u32 s1, $0x2  }
0xc8: {  	s4 =	sand.u32 $0x4000, s31;
	s1 =	sadd.s32 s1, s30  }
0xc9: {  	s0 =	sor.u32 s4, s0;
	s1 =	sshll.u32 s1, $0x11  }
0xca: {  	s0 =	sor.u32 s1, s0  }
0xcb: {  	s0 =	sadd.s32 $0x8F2B, s0  }
0xcc: {  	[sflag:s0] =	ssyncadd.remote.s32 $0x1  }
0xcd: {  	_ =	sfence.sel $0xFFFF  }
0xce: {  	[dreg:$0x0] =	wrdreg $0xFFFFFFFF;
	(pc) =	sbr.abs _section_cstart, $3  }
0xcf: {  	[dreg:$0x1] =	wrdreg $0xFFFFFFFF  }
0xd0: {  	_ =	task.clear_ibuf [dreg:s22], $0x2FFFF;
	_ =	strace $0x9FFFFFFF  }
0xd1: {  	(tm) =	ssettm $0x7FFFFFFF  }
tec
execute0_lowered:
.L_overlay_start_1:
0x0: {  	(tag) =	ssettag $0x1  }
0x1: {  	s1 =	srdreg.scid  }
0x2: {  	s0 =	stileid.u32;
	s3 =	rddreg [dreg:$0x0]  }
0x3: {  	s5 =	rddreg [dreg:$0x1];
	s2 =	simm.s32 $0x0;
	s9 =	simm.s32 $0xB80  }
0x4: {  	s10 =	simm.s32 $0x1700;
	s11 =	simm.s32 $0x80;
	s12 =	simm.s32 $0x400  }
0x5: {  	s13 =	simm.s32 $0x0;
	s4 =	sand.u32 $0x1, s1;
	s1 =	rddreg [dreg:$0x2]  }
0x6: {  	s28 =	sshll.u32 s0, $0x1;
	s8 =	sshrl.u32 s0, $0x2;
	[smem:$0x7FF] =	sst s2  }
0x7: {  	s6 =	sor.u32 s4, s28;
	s8 =	smul.u32 $0x14000, s8;
	s4 =	ssub.s32 $0x2, s4  }
0x8: {  	s7 =	smul.u32 $0xB10, s6;
	s6 =	sshll.u32 s6, $0x7;
	s30 =	sshrl.u32 s4, $0x1  }
0x9: {  	_ =	strace $0x8000004A;
	s6 =	sand.u32 $0x380, s6;
	s31 =	ssub.s32 s4, s30  }
0xa: {  	s7 =	sshrl.u32 s7, $0x3;
	s6 =	sor.u32 s8, s6;
	s8 =	simm.s32 $0x1  }
0xb: {  	s29 =	sadd.s32 s7, s3;
	s6 =	sshrl.u32 s6, $0x3;
	s5 =	sadd.s32 s5, s7  }
0xc: {  	s7 =	simm.s32 $0x10;
	s6 =	sadd.s32 s6, s3;
	s3 =	sadd.s32 $0x7000, s5  }
0xd: {  	v0 =	vimm.f32 $0.0e+00;
	vm0 =	vcmask $0x3F3C;
	vm1 =	vmmov $0x1;
	s4 =	sadd.s32 $0x12400, s29;
	s5 =	sadd.s32 $0x15200, s6;
	s6 =	smax.u32 s31, $0x1  }
.LBB2_1:
0xe: {  	[tilespmem:s7], [sflag:$0x1] =	stream.linear.gather [hbm4b:s3+s2], $0xB10, $0x38;
	[tilespmem:$0x3F00] =	vst v63  }
0xf: {  	_ =	swait.ge [sflag:s8], $0xB10  }
0x10: {  	[sflag:s8] =	ssyncset.done $0x0  }
0x11: {  	[sflag:s8] =	ssyncadd.s32 $0xFFFFF4F0  }
0x12: {  	[tilespmem:s9], [sflag:$0x1] =	stream.linear.gather [hbm4b:s4+s2], $0xB10, $0x38;
	[tilespmem:$0x3F00] =	vst v63  }
0x13: {  	_ =	swait.ge [sflag:s8], $0xB10  }
0x14: {  	[sflag:s8] =	ssyncset.done $0x0  }
0x15: {  	s14 =	simm.s32 $0x0;
	[sflag:s8] =	ssyncadd.s32 $0xFFFFF4F0  }
.LBB2_2:
0x16: {  	p0 =	sne.s32 s14, $0x9F00  }
.Ltmp0:
0x17: {  	s15 =	sshra.s32 s14, $0x2;
	(pc) =	sbr.rel @p0 .LBB2_2-.Ltmp0, $4  }
0x18: {  	[tilespmem:s15+$0x1700] =	vst v0  }
0x19: {  	[tilespmem:s15+$0x1710] =	vst v0  }
0x1a: {  	[tilespmem:s15+$0x1720] =	vst v0  }
0x1b: {  	s14 =	sadd.s32 $0x100, s14;
	[tilespmem:s15+$0x1730] =	vst v0  }
0x1c: {  	s14 =	simm.s32 $0x0  }
0x1d: {  	v1 =	vld [tilespmem:s14+$0xB80];
	_ =	sdelay $0x4  }
0x1e: {  	(xrf2) =	vadd.scan.msk.f32 $0xffff, v1  }
0x1f: {  	v2 =	vld [tilespmem:s14+$0x11]  }
0x20: {  	v3 =	vld [tilespmem:s14+$0x10]  }
0x21: {  	v4 =	vld [tilespmem:s14+$0xF];
	_ =	sdelay $0x3  }
0x22: {  	vm2 =	vne.s32 v3, v2  }
0x23: {  	vm3 =	vne.s32 v3, v4;
	vm2 =	vmor vm2, vm0  }
0x24: {  	vm3 =	vmor vm3, vm1  }
0x25: {  	v2, _, _ =	vpop (xrf2)  }
0x26: {  	v1 =	vsub.f32 v1, v2;
	_ =	sdelay $0x1  }
0x27: {  	v1 =	vadd.f32 $0.0e+00, v1  }
0x28: {  	[tilespmem:v3+s10+$0x0] =	vst.idx.add.f32.msk vm2, v2  }
0x29: {  	[tilespmem:v3+s10+$0x0] =	vst.idx.add.f32.msk vm3, v1  }
0x2a: {  	v1 =	vld [tilespmem:s14+$0xB90];
	_ =	sdelay $0x4  }
0x2b: {  	(xrf2) =	vadd.scan.msk.f32 $0xffff, v1  }
0x2c: {  	v2 =	vld [tilespmem:s14+$0x21]  }
0x2d: {  	v3 =	vld [tilespmem:s14+$0x20]  }
0x2e: {  	v62 =	vld [tilespmem:s14+$0x1F];
	_ =	sdelay $0x3  }
0x2f: {  	vm2 =	vne.s32 v3, v2  }
0x30: {  	vm3 =	vne.s32 v3, v62;
	vm2 =	vmor vm2, vm0  }
0x31: {  	vm3 =	vmor vm3, vm1  }
0x32: {  	v2, _, _ =	vpop (xrf2)  }
0x33: {  	v1 =	vsub.f32 v1, v2;
	_ =	sdelay $0x1  }
0x34: {  	v1 =	vadd.f32 $0.0e+00, v1  }
0x35: {  	[tilespmem:v3+s10+$0x0] =	vst.idx.add.f32.msk vm2, v2  }
0x36: {  	[tilespmem:v3+s10+$0x0] =	vst.idx.add.f32.msk vm3, v1  }
0x37: {  	v2 =	vld [tilespmem:s14+$0xBA0];
	_ =	sdelay $0x2  }
0x38: {  	v3 =	vld [tilespmem:s14+$0x31]  }
0x39: {  	v1 =	vld [tilespmem:s14+$0x30]  }
0x3a: {  	(xrf2) =	vadd.scan.msk.f32 $0xffff, v2;
	_ =	sdelay $0x3  }
0x3b: {  	vm2 =	vne.s32 v1, v3;
	v3 =	vld [tilespmem:s14+$0x2F];
	_ =	sdelay $0x2  }
0x3c: {  	vm3 =	vmor vm2, vm0;
	_ =	sdelay $0x1  }
0x3d: {  	vm2 =	vne.s32 v1, v3  }
0x3e: {  	vm2 =	vmor vm2, vm1;
	v63, _, _ =	vpop (xrf2)  }
0x3f: {  	v2 =	vsub.f32 v2, v63;
	_ =	sdelay $0x1  }
0x40: {  	s15 =	simm.s32 $0x180;
	s14 =	simm.s32 $0xC0;
	[tilespmem:v1+s10+$0x0] =	vst.idx.add.f32.msk vm3, v63;
	v2 =	vadd.f32 $0.0e+00, v2  }
.LBB2_4:
0x41: {  	p0 =	sne.s32 s15, $0x2B80  }
0x42: {  	s16 =	sshra.s32 s14, $0x2;
	s14 =	smov.u32 s15;
	s15 =	sadd.s32 $0xC0, s15  }
0x43: {  	[tilespmem:v1+s10+$0x0] =	vst.idx.add.f32.msk vm2, v2  }
0x44: {  	v1 =	vld [tilespmem:s16+$0xB80];
	_ =	sdelay $0x3  }
0x45: {  	v2 =	vld [tilespmem:s16+$0x11]  }
0x46: {  	v3 =	vld [tilespmem:s16+$0xF];
	(xrf2) =	vadd.scan.msk.f32 $0xffff, v1  }
0x47: {  	v4 =	vld [tilespmem:s16+$0x10];
	_ =	sdelay $0x4  }
0x48: {  	vm2 =	vne.s32 v4, v2;
	vm3 =	vne.s32 v4, v3  }
0x49: {  	vm2 =	vmor vm2, vm0  }
0x4a: {  	vm3 =	vmor vm3, vm1;
	_ =	sdelay $0x1  }
0x4b: {  	v2, _, _ =	vpop (xrf2)  }
0x4c: {  	v1 =	vsub.f32 v1, v2;
	_ =	sdelay $0x1  }
0x4d: {  	[tilespmem:v4+s10+$0x0] =	vst.idx.add.f32.msk vm2, v2;
	v1 =	vadd.f32 $0.0e+00, v1;
	_ =	sdelay $0x1  }
0x4e: {  	[tilespmem:v4+s10+$0x0] =	vst.idx.add.f32.msk vm3, v1  }
0x4f: {  	v1 =	vld [tilespmem:s16+$0xB90];
	_ =	sdelay $0x1  }
0x50: {  	v2 =	vld [tilespmem:s16+$0x21]  }
0x51: {  	v3 =	vld [tilespmem:s16+$0x20];
	_ =	sdelay $0x1  }
0x52: {  	(xrf2) =	vadd.scan.msk.f32 $0xffff, v1;
	_ =	sdelay $0x1  }
0x53: {  	v4 =	vld [tilespmem:s16+$0x1F]  }
0x54: {  	vm2 =	vne.s32 v3, v2  }
0x55: {  	vm2 =	vmor vm2, vm0;
	_ =	sdelay $0x2  }
0x56: {  	vm3 =	vne.s32 v3, v4  }
0x57: {  	vm3 =	vmor vm3, vm1;
	_ =	sdelay $0x1  }
0x58: {  	v2, _, _ =	vpop (xrf2)  }
0x59: {  	[tilespmem:v3+s10+$0x0] =	vst.idx.add.f32.msk vm2, v2;
	v1 =	vsub.f32 v1, v2;
	_ =	sdelay $0x1  }
0x5a: {  	v1 =	vadd.f32 $0.0e+00, v1;
	_ =	sdelay $0x1  }
0x5b: {  	[tilespmem:v3+s10+$0x0] =	vst.idx.add.f32.msk vm3, v1  }
0x5c: {  	v2 =	vld [tilespmem:s16+$0xBA0]  }
0x5d: {  	v3 =	vld [tilespmem:s16+$0x31]  }
0x5e: {  	v4 =	vld [tilespmem:s16+$0x2F];
	_ =	sdelay $0x1  }
0x5f: {  	v1 =	vld [tilespmem:s16+$0x30]  }
0x60: {  	(xrf2) =	vadd.scan.msk.f32 $0xffff, v2;
	_ =	sdelay $0x3  }
0x61: {  	vm2 =	vne.s32 v1, v3  }
0x62: {  	vm3 =	vmor vm2, vm0;
	_ =	sdelay $0x1  }
0x63: {  	vm2 =	vne.s32 v1, v4  }
0x64: {  	vm2 =	vmor vm2, vm1  }
.Ltmp1:
0x65: {  	(pc) =	sbr.rel @p0 .LBB2_4-.Ltmp1, $3  }
0x66: {  	v3, _, _ =	vpop (xrf2)  }
0x67: {  	[tilespmem:v1+s10+$0x0] =	vst.idx.add.f32.msk vm3, v3;
	v2 =	vsub.f32 v2, v3;
	_ =	sdelay $0x1  }
0x68: {  	v2 =	vadd.f32 $0.0e+00, v2  }
0x69: {  	_ =	sdelay $0x4  }
0x6a: {  	s14 =	sshra.s32 s14, $0x2;
	[tilespmem:v1+s10+$0x0] =	vst.idx.add.f32.msk vm2, v2  }
0x6b: {  	v1 =	vld [tilespmem:s14+$0xB80];
	_ =	sdelay $0x4  }
0x6c: {  	(xrf2) =	vadd.scan.msk.f32 $0xffff, v1  }
0x6d: {  	v2 =	vld [tilespmem:s14+$0x11]  }
0x6e: {  	v3 =	vld [tilespmem:s14+$0x10]  }
0x6f: {  	v4 =	vld [tilespmem:s14+$0xF];
	_ =	sdelay $0x3  }
0x70: {  	vm2 =	vne.s32 v3, v2  }
0x71: {  	vm3 =	vne.s32 v3, v4;
	vm2 =	vmor vm2, vm0  }
0x72: {  	vm3 =	vmor vm3, vm1  }
0x73: {  	v2, _, _ =	vpop (xrf2)  }
0x74: {  	v1 =	vsub.f32 v1, v2;
	_ =	sdelay $0x1  }
0x75: {  	v1 =	vadd.f32 $0.0e+00, v1  }
0x76: {  	[tilespmem:v3+s10+$0x0] =	vst.idx.add.f32.msk vm2, v2  }
0x77: {  	[tilespmem:v3+s10+$0x0] =	vst.idx.add.f32.msk vm3, v1  }
0x78: {  	v1 =	vld [tilespmem:s14+$0xB90];
	_ =	sdelay $0x4  }
0x79: {  	(xrf2) =	vadd.scan.msk.f32 $0xffff, v1  }
0x7a: {  	v2 =	vld [tilespmem:s14+$0x21]  }
0x7b: {  	v3 =	vld [tilespmem:s14+$0x20]  }
0x7c: {  	v62 =	vld [tilespmem:s14+$0x1F];
	_ =	sdelay $0x3  }
0x7d: {  	vm2 =	vne.s32 v3, v2  }
0x7e: {  	vm3 =	vne.s32 v3, v62;
	vm2 =	vmor vm2, vm0  }
0x7f: {  	vm3 =	vmor vm3, vm1  }
0x80: {  	v2, _, _ =	vpop (xrf2)  }
0x81: {  	v1 =	vsub.f32 v1, v2;
	_ =	sdelay $0x1  }
0x82: {  	v1 =	vadd.f32 $0.0e+00, v1  }
0x83: {  	[tilespmem:v3+s10+$0x0] =	vst.idx.add.f32.msk vm2, v2  }
0x84: {  	[tilespmem:v3+s10+$0x0] =	vst.idx.add.f32.msk vm3, v1  }
0x85: {  	v1 =	vld [tilespmem:s14+$0xBA0];
	_ =	sdelay $0x4  }
0x86: {  	(xrf2) =	vadd.scan.msk.f32 $0xffff, v1  }
0x87: {  	v2 =	vld [tilespmem:s14+$0x31]  }
0x88: {  	v3 =	vld [tilespmem:s14+$0x30]  }
0x89: {  	v63 =	vld [tilespmem:s14+$0x2F];
	_ =	sdelay $0x3  }
0x8a: {  	vm2 =	vne.s32 v3, v2  }
0x8b: {  	vm3 =	vne.s32 v3, v63;
	vm2 =	vmor vm2, vm0  }
0x8c: {  	vm3 =	vmor vm3, vm1  }
0x8d: {  	v2, _, _ =	vpop (xrf2)  }
0x8e: {  	v1 =	vsub.f32 v1, v2;
	_ =	sdelay $0x1  }
0x8f: {  	s13 =	sadd.s32 $0x1, s13;
	v1 =	vadd.f32 $0.0e+00, v1  }
0x90: {  	p0 =	sne.s32 s13, s6;
	[tilespmem:v3+s10+$0x0] =	vst.idx.add.f32.msk vm2, v2  }
.Ltmp2:
0x91: {  	[tilespmem:v3+s10+$0x0] =	vst.idx.add.f32.msk vm3, v1;
	(pc) =	sbr.rel @p0 .LBB2_1-.Ltmp2, $4  }
0x92: {  	[hbm4b:s5+s11] =	stream.strided.scatter [tilespmem:s10], [sflag:$0x1], $0x2800, s12, s11, $0x38;
	[tilespmem:$0x3F00] =	vst v63  }
0x93: {  	_ =	swait.ge [sflag:s8], $0x2800  }
0x94: {  	[sflag:s8] =	ssyncset.done $0x0  }
0x95: {  	[sflag:s8] =	ssyncadd.s32 $0xFFFFD800  }
0x96: {  	_ =	sfence.sel $0x180000  }
0x97: {  	[bflag:$0x0] =	sbarrier.arrive $0xFFFF  }
0x98: {  	p0 =	sne.s32 s0, $0x0;
	_ =	strace $0x9000004A  }
0x99: {  	s0 =	sadd.s32 @!p0 $0x100000, s1;
	[bflag:$0x2] =	sbarrier.arrive $0xFFFF  }
0x9a: {  	[sflag:s0] =	ssyncadd.tile.s32 @!p0 $0x1;
	_ =	shalt  }
.Lfunc_end2:
_tile_overlayer_lowered:
.L_overlay_start_2:
0x9b: {  	(tag) =	ssettag $0x2  }
0x9c: {  	s0 =	rddreg [dreg:$0x0];
	s2 =	stileid.u32  }
0x9d: {  	s1 =	rddreg [dreg:$0x1];
	p0 =	sne.s32 s2, $0x0  }
0x9e: {  	s3 =	rddreg [dreg:$0x2];
	[bflag:$0x3] =	sbarrier.arrive $0xFFFF;
	s2 =	simm.s32 @!p0 $0x1C01  }
0x9f: {  	[timem:s3], [sflag:s2] =	dma.local @!p0 [hbm:s0], s1  }
0xa0: {  	s0 =	simm.s32 @!p0 $0x1  }
0xa1: {  	_ =	swait.ge @!p0 [sflag:s0], s1  }
0xa2: {  	s1 =	ssub.s32 @!p0 $0x0, s1;
	[sflag:s0] =	ssyncset.done @!p0 $0x0  }
0xa3: {  	[sflag:s0] =	ssyncadd.s32 @!p0 s1  }
0xa4: {  	[bflag:$0x3] =	sbarrier.arrive $0xFFFF  }
0xa5: {  	_ =	shalt  }

// kernel: kernel.7.cloned.1.call-start
scs
__scs_entry_jumppad:
0x0: {  	(pc) =	sbr.rel $0x88, $3  }
0x1: {  	(tag) =	ssettag $0x0;
	lr =	simm.s32 $0x1  }
0x2: {  	[smem:$0x3F9B] =	sst lr;
	_ =	strace $0xD0000000  }
0x3: {  	_ = 	snop  }
0x4: {  	_ = 	snop  }
0x5: {  	_ = 	snop  }
0x6: {  	_ = 	snop  }
0x7: {  	_ = 	snop  }
__scs_overlays_trampoline_lowered:
0x8: {  	[smem:$0x3FAA] =	sst s0  }
0x9: {  	[smem:$0x3FAB] =	sst s1  }
0xa: {  	[smem:$0x3FAC] =	sst s2  }
0xb: {  	[smem:$0x3FAD] =	sst s3  }
0xc: {  	[smem:$0x3FAE] =	sst s4  }
0xd: {  	[smem:$0x3FAF] =	sst s5  }
0xe: {  	[smem:$0x3FB0] =	sst s6  }
0xf: {  	[smem:$0x3FB1] =	sst s7  }
0x10: {  	[smem:$0x3FB2] =	sst s8  }
0x11: {  	[smem:$0x3FB3] =	sst s9;
	s0 =	simm.s32 @!p0 $0x0  }
0x12: {  	s1 =	sld [smem:$0x3F99];
	s0 =	simm.s32 @p0 $0x1  }
0x13: {  	[smem:$0x3FB4] =	sst s0;
	s0 =	simm.s32 @!p1 $0x0  }
0x14: {  	s2 =	sld [smem:$0x3F98];
	s0 =	simm.s32 @p1 $0x1  }
0x15: {  	[smem:$0x3FB5] =	sst s0;
	s0 =	simm.s32 @!p2 $0x0  }
0x16: {  	s3 =	sld [smem:$0x3FDB];
	s0 =	simm.s32 @p2 $0x1  }
0x17: {  	s4 =	simm.s32 $0x1BF5;
	[smem:$0x3FB7] =	sst s0  }
0x18: {  	s0 =	sld [smem:$0x3F9A];
	_ =	swait.ge [sflag:s4], $0x0  }
0x19: {  	s7 =	sld [smem:$0x3F9B]  }
0x1a: {  	s8 =	sadd.s32 $0xFFFFE003, lr  }
0x1b: {  	s9 =	sadd.s32 $0xFFFFFEF7, lr;
	s5 =	simm.s32 $0xFFFFFFFF;
	p2 =	slt.u32 s8, $0xFFFFF086  }
0x1c: {  	p1 =	slt.u32 s9, $0xF7A;
	s5 =	simm.s32 @!p2 $0x0  }
0x1d: {  	s5 =	simm.s32 @p1 $0x1;
	p0 =	seq.s32 s7, s2  }
0x1e: {  	s7 =	smul.u32 @!p0 $0xF7A, s2;
	p2 =	seq.s32 @!p0 s5, $0x0  }
0x1f: {  	s9 =	smul.u32 $0xF7A, s1;
	s8 =	simm.s32 @!p0 $0x1BF5;
	p2 =	por !p2, p0  }
0x20: {  	[sflag:s8] =	ssyncset.s32 @!p0 $0xFFFFF086;
	s6 =	sadd.s32 @!p0 s3, s7;
	s7 =	simm.s32 @!p0 $0x108  }
0x21: {  	s3 =	sadd.s32 s3, s9;
	s6 =	sadd.s32 @!p0 $0x88, s6;
	s7 =	simm.s32 @p2 $0x1082  }
0x22: {  	[simem:s7], [sflag:s8] =	dma.local @!p0 [hbm:s6], $0xF7A  }
0x23: {  	s9 =	sor.u32 $0xD0000000, s2;
	s6 =	simm.s32 $0x108;
	_ =	swait.ge @!p0 [sflag:s8], $0x0  }
0x24: {  	s3 =	sadd.s32 $0x88, s3;
	s6 =	simm.s32 @!p1 $0x1082;
	[sflag:s4] =	ssyncset.s32 $0xFFFFF086  }
0x25: {  	[simem:s6], [sflag:s4] =	dma.local [hbm:s3], $0xF7A  }
0x26: {  	[smem:$0x3F9B] =	sst s1;
	(tag) =	ssettag s2;
	_ =	strace s9  }
0x27: {  	s1 =	sld [smem:$0x3FAB]  }
0x28: {  	s2 =	sld [smem:$0x3FAC]  }
0x29: {  	s4 =	sld [smem:$0x3FAE]  }
0x2a: {  	p0 =	seq.s32 s5, $0x0;
	s5 =	sld [smem:$0x3FAF]  }
0x2b: {  	s6 =	sld [smem:$0x3FB0]  }
0x2c: {  	s7 =	sld [smem:$0x3FB1]  }
0x2d: {  	s3 =	simm.s32 $0x108;
	s8 =	sld [smem:$0x3FB2]  }
0x2e: {  	s3 =	simm.s32 @!p0 $0x1082;
	s9 =	sld [smem:$0x3FB3]  }
0x2f: {  	lr =	sadd.s32 s0, s3;
	s0 =	sld [smem:$0x3FAA]  }
0x30: {  	s3 =	sld [smem:$0x3FAD]  }
0x31: {  	[smem:$0x3FB6] =	sst s10  }
0x32: {  	s10 =	sld [smem:$0x3FB4];
	_ =	sdelay $0x3  }
0x33: {  	p0 =	seq.s32 s10, $0x1;
	s10 =	sld [smem:$0x3FB6];
	_ =	sdelay $0x3  }
0x34: {  	[smem:$0x3FB6] =	sst s10  }
0x35: {  	s10 =	sld [smem:$0x3FB5];
	_ =	sdelay $0x3  }
0x36: {  	p1 =	seq.s32 s10, $0x1;
	s10 =	sld [smem:$0x3FB6];
	_ =	sdelay $0x3  }
0x37: {  	[smem:$0x3FB6] =	sst s10  }
0x38: {  	s10 =	sld [smem:$0x3FB7]  }
0x39: {  	_ = 	snop;
	(pc) =	sbr.ind lr, $3  }
0x3a: {  	_ = 	snop  }
0x3b: {  	_ = 	snop  }
0x3c: {  	p2 =	seq.s32 s10, $0x1;
	s10 =	sld [smem:$0x3FB6]  }
0x3d: {  	_ =	shalt  }
0x3e: {  	_ =	shalt  }
0x3f: {  	_ =	shalt  }
0x40: {  	_ =	shalt  }
0x41: {  	_ =	shalt  }
0x42: {  	_ =	shalt  }
0x43: {  	_ =	shalt  }
0x44: {  	_ =	shalt  }
0x45: {  	_ =	shalt  }
0x46: {  	_ =	shalt  }
0x47: {  	_ =	shalt  }
0x48: {  	_ =	shalt  }
0x49: {  	_ =	shalt  }
0x4a: {  	_ =	shalt  }
0x4b: {  	_ =	shalt  }
0x4c: {  	_ =	shalt  }
0x4d: {  	_ =	shalt  }
0x4e: {  	_ =	shalt  }
0x4f: {  	_ =	shalt  }
0x50: {  	_ =	shalt  }
0x51: {  	_ =	shalt  }
0x52: {  	_ =	shalt  }
0x53: {  	_ =	shalt  }
0x54: {  	_ =	shalt  }
0x55: {  	_ =	shalt  }
0x56: {  	_ =	shalt  }
0x57: {  	_ =	shalt  }
0x58: {  	_ =	shalt  }
0x59: {  	_ =	shalt  }
0x5a: {  	_ =	shalt  }
0x5b: {  	_ =	shalt  }
0x5c: {  	_ =	shalt  }
0x5d: {  	_ =	shalt  }
0x5e: {  	_ =	shalt  }
0x5f: {  	_ =	shalt  }
0x60: {  	_ =	shalt  }
0x61: {  	_ =	shalt  }
0x62: {  	_ =	shalt  }
0x63: {  	_ =	shalt  }
0x64: {  	_ =	shalt  }
0x65: {  	_ =	shalt  }
0x66: {  	_ =	shalt  }
0x67: {  	_ =	shalt  }
0x68: {  	_ =	shalt  }
0x69: {  	_ =	shalt  }
0x6a: {  	_ =	shalt  }
0x6b: {  	_ =	shalt  }
0x6c: {  	_ =	shalt  }
0x6d: {  	_ =	shalt  }
0x6e: {  	_ =	shalt  }
0x6f: {  	_ =	shalt  }
0x70: {  	_ =	shalt  }
0x71: {  	_ =	shalt  }
0x72: {  	_ =	shalt  }
0x73: {  	_ =	shalt  }
0x74: {  	_ =	shalt  }
0x75: {  	_ =	shalt  }
0x76: {  	_ =	shalt  }
0x77: {  	_ =	shalt  }
0x78: {  	_ =	shalt  }
0x79: {  	_ =	shalt  }
0x7a: {  	_ =	shalt  }
0x7b: {  	_ =	shalt  }
0x7c: {  	_ =	shalt  }
0x7d: {  	_ =	shalt  }
0x7e: {  	_ =	shalt  }
0x7f: {  	_ =	shalt  }
0x80: {  	_ =	shalt  }
0x81: {  	_ =	shalt  }
0x82: {  	_ =	shalt  }
0x83: {  	_ =	shalt  }
0x84: {  	_ =	shalt  }
0x85: {  	_ =	shalt  }
0x86: {  	_ =	shalt  }
0x87: {  	_ =	shalt  }
.Lfunc_end0:
.L_simem_size_0:
called_computation_lowered:
.L_overlay_start_0:
0x88: {  	s2 =	sld [smem:$0x3FD9]  }
0x89: {  	s3 =	sld [smem:$0x3FFE];
	_ =	sdelay $0x1  }
0x8a: {  	s1 =	srdreg.scid  }
0x8b: {  	s0 =	sand.u32 $0x1, s1  }
0x8c: {  	s17 =	sshll.u32 s0, $0xA;
	s2 =	sadd.s32 s3, s2  }
0x8d: {  	s2 =	sadd.s32 s2, s17  }
0x8e: {  	[smem:$0x3FC2] =	sst s2  }
0x8f: {  	_ = 	snop  }
0x90: {  	s2 =	sld [smem:$0x3FC8];
	(tm) =	ssettm $0x1  }
0x91: {  	s18 =	sld [smem:$0x3FFB];
	_ =	sdelay $0x3  }
0x92: {  	_ =	strace s18  }
0x93: {  	s3 =	sld [smem:$0x3FFC];
	_ =	sdelay $0x3  }
0x94: {  	_ =	strace s3  }
0x95: {  	s3 =	sld [smem:$0x3FFD];
	_ =	sdelay $0x3  }
0x96: {  	_ =	strace s3  }
0x97: {  	_ =	strace $0x8FFFFFFF  }
0x98: {  	s19 =	sld [smem:$0x3FDB];
	_ =	sdelay $0x1  }
0x99: {  	s4 =	simm.s32 $_scs_section_size  }
0x9a: {  	s5 =	simm.s32 $_size__tile_overlayer_lowered;
	s6 =	simm.s32 $_tile_overlayer_lowered  }
0x9b: {  	s22 =	simm.s32 $0x1BFF;
	s21 =	sshll.u32 s6, $0x1;
	s3 =	sadd.s32 s4, s19  }
0x9c: {  	s7 =	simm.s32 $0x0;
	s20 =	sshll.u32 s5, $0x1;
	s5 =	sadd.s32 s21, s3  }
0x9d: {  	[timem:s7], [sflag:s22] =	dma.local [hbm:s5], s20  }
0x9e: {  	_ =	swait.ge [sflag:s22], s20  }
0x9f: {  	s4 =	ssub.s32 $0x0, s20;
	[sflag:s22] =	ssyncset.done $0x0  }
0xa0: {  	[sflag:s22] =	ssyncadd.s32 s4;
	_ =	sdelay $0x1  }
0xa1: {  	s23 =	simm.s32 $0x1B8B  }
0xa2: {  	_ =	swait.ge [sflag:s23], $0x1  }
0xa3: {  	[sflag:s23] =	ssyncset.done $0x0  }
0xa4: {  	s25 =	simm.s32 $0x1B8E;
	s24 =	sld [smem:$0x3FFE];
	[sflag:s23] =	ssyncadd.s32 $0xFFFFFFFF  }
0xa5: {  	s26 =	simm.s32 $execute0_lowered;
	[smem:$0x3FD2] =	sst s25  }
0xa6: {  	s5 =	sshll.u32 s26, $0x1;
	_ =	strace $0x80000046;
	[dreg:$0x1] =	wrdreg $0xFFFFFFFF  }
0xa7: {  	s28 =	simm.s32 $_size_execute0_lowered;
	s3 =	sadd.s32 s3, s5;
	[dreg:$0x0] =	wrdreg $0x0  }
0xa8: {  	s5 =	sshll.u32 s28, $0x1;
	[dreg:$0x2] =	wrdreg s3  }
0xa9: {  	[dreg:$0x3] =	wrdreg s5  }
0xaa: {  	[dreg:$0x4] =	wrdreg $0xC0  }
0xab: {  	_ =	task [dreg:s7], $0x5FFFF  }
0xac: {  	[dreg:$0x1] =	wrdreg $0xFFFFFFFF  }
0xad: {  	[dreg:$0x0] =	wrdreg $0x60  }
0xae: {  	[dreg:$0x2] =	wrdreg s24  }
0xaf: {  	[dreg:$0x3] =	wrdreg s2  }
0xb0: {  	[dreg:$0x4] =	wrdreg $0x9  }
0xb1: {  	_ =	task.clear_ibuf [dreg:s7], $0x5FFFF;
	_ =	strace $0x90000046  }
0xb2: {  	s29 =	simm.s32 $0x9;
	_ =	strace $0x80000048  }
0xb3: {  	_ =	swait.ge [sflag:s29], $0x1  }
0xb4: {  	[sflag:s29] =	ssyncadd.s32 $0xFFFFFFFF  }
0xb5: {  	_ =	strace $0x90000048  }
0xb6: {  	_ =	sfence  }
0xb7: {  	s30 =	sld [smem:$0x0];
	_ =	sdelay $0x2  }
0xb8: {  	s31 =	sshll.u32 s1, $0xD;
	s1 =	sshrl.u32 s1, $0x2  }
0xb9: {  	s3 =	sand.u32 $0x4000, s31;
	s1 =	sadd.s32 s1, s30  }
0xba: {  	s0 =	sor.u32 s3, s0;
	s1 =	sshll.u32 s1, $0x11  }
0xbb: {  	s0 =	sor.u32 s1, s0  }
0xbc: {  	s0 =	sadd.s32 $0x8F2B, s0  }
0xbd: {  	[sflag:s0] =	ssyncadd.remote.s32 $0x1  }
0xbe: {  	_ =	sfence.sel $0xFFFF  }
0xbf: {  	[dreg:$0x0] =	wrdreg $0xFFFFFFFF;
	(pc) =	sbr.abs _section_cstart, $3  }
0xc0: {  	[dreg:$0x1] =	wrdreg $0xFFFFFFFF  }
0xc1: {  	_ =	task.clear_ibuf [dreg:s7], $0x2FFFF;
	_ =	strace $0x9FFFFFFF  }
0xc2: {  	(tm) =	ssettm $0x7FFFFFFF  }
0xc3: {  	_ =	shalt  }
tec
execute0_lowered:
.L_overlay_start_1:
0x0: {  	(tag) =	ssettag $0x1  }
0x1: {  	s1 =	srdreg.scid;
	s4 =	rddreg [dreg:$0x0]  }
0x2: {  	s0 =	stileid.u32;
	s6 =	rddreg [dreg:$0x1]  }
0x3: {  	s2 =	simm.s32 $0x0;
	s10 =	simm.s32 $0x3880;
	s11 =	simm.s32 $0x80  }
0x4: {  	s12 =	simm.s32 $0x400;
	s13 =	simm.s32 $0x0;
	s3 =	sand.u32 $0x1, s1  }
0x5: {  	s28 =	sshll.u32 s0, $0x1;
	s29 =	sshrl.u32 s0, $0x2;
	s1 =	rddreg [dreg:$0x2]  }
0x6: {  	[smem:$0x7FF] =	sst s2;
	s5 =	sor.u32 s3, s28;
	s7 =	smul.u32 $0x14000, s29  }
0x7: {  	s3 =	ssub.s32 $0x2, s3;
	s8 =	sshll.u32 s5, $0x7;
	s5 =	smul.u32 $0x380, s5  }
0x8: {  	_ =	strace $0x80000047;
	s31 =	sshrl.u32 s3, $0x1;
	s8 =	sand.u32 $0x380, s8  }
0x9: {  	s9 =	ssub.s32 s3, s31;
	s7 =	sor.u32 s7, s8;
	s30 =	sadd.s32 s5, s4  }
0xa: {  	s3 =	sadd.s32 s6, s5;
	s6 =	smax.u32 s9, $0x1;
	s7 =	sshrl.u32 s7, $0x3  }
0xb: {  	s8 =	simm.s32 $0x1;
	s9 =	simm.s32 $0x1C80;
	s7 =	sadd.s32 s7, s4  }
0xc: {  	v0 =	vimm.f32 $0.0e+00;
	vm0 =	vcmask $0x3F3C;
	vm1 =	vmmov $0x1;
	s4 =	sadd.s32 $0x1400, s30;
	s5 =	sadd.s32 $0x8400, s7;
	s7 =	simm.s32 $0x10  }
.LBB2_1:
0xd: {  	[tilespmem:s7], [sflag:$0x1] =	stream.linear.gather [hbm4b:s3+s2], $0x1C00, $0x38;
	[tilespmem:$0x6080] =	vst v63  }
0xe: {  	_ =	swait.ge [sflag:s8], $0x1C00  }
0xf: {  	[sflag:s8] =	ssyncset.done $0x0  }
0x10: {  	[sflag:s8] =	ssyncadd.s32 $0xFFFFE400  }
0x11: {  	[tilespmem:s9], [sflag:$0x1] =	stream.linear.gather [hbm4b:s4+s2], $0x1C00, $0x38;
	[tilespmem:$0x6080] =	vst v63  }
0x12: {  	_ =	swait.ge [sflag:s8], $0x1C00  }
0x13: {  	[sflag:s8] =	ssyncset.done $0x0  }
0x14: {  	s14 =	simm.s32 $0x0;
	[sflag:s8] =	ssyncadd.s32 $0xFFFFE400  }
.LBB2_2:
0x15: {  	p0 =	sne.s32 s14, $0x9F00  }
.Ltmp0:
0x16: {  	s15 =	sshra.s32 s14, $0x2;
	(pc) =	sbr.rel @p0 .LBB2_2-.Ltmp0, $4  }
0x17: {  	[tilespmem:s15+$0x3880] =	vst v0  }
0x18: {  	[tilespmem:s15+$0x3890] =	vst v0  }
0x19: {  	[tilespmem:s15+$0x38A0] =	vst v0  }
0x1a: {  	s14 =	sadd.s32 $0x100, s14;
	[tilespmem:s15+$0x38B0] =	vst v0  }
0x1b: {  	s14 =	simm.s32 $0x0  }
0x1c: {  	v1 =	vld [tilespmem:s14+$0x1C80];
	_ =	sdelay $0x4  }
0x1d: {  	(xrf2) =	vadd.scan.msk.f32 $0xffff, v1  }
0x1e: {  	v2 =	vld [tilespmem:s14+$0x11]  }
0x1f: {  	v3 =	vld [tilespmem:s14+$0x10]  }
0x20: {  	v4 =	vld [tilespmem:s14+$0xF];
	_ =	sdelay $0x3  }
0x21: {  	vm2 =	vne.s32 v3, v2  }
0x22: {  	vm3 =	vne.s32 v3, v4;
	vm2 =	vmor vm2, vm0  }
0x23: {  	vm3 =	vmor vm3, vm1  }
0x24: {  	v2, _, _ =	vpop (xrf2)  }
0x25: {  	v1 =	vsub.f32 v1, v2;
	_ =	sdelay $0x1  }
0x26: {  	v1 =	vadd.f32 $0.0e+00, v1  }
0x27: {  	[tilespmem:v3+s10+$0x0] =	vst.idx.add.f32.msk vm2, v2  }
0x28: {  	[tilespmem:v3+s10+$0x0] =	vst.idx.add.f32.msk vm3, v1  }
0x29: {  	v1 =	vld [tilespmem:s14+$0x1C90];
	_ =	sdelay $0x4  }
0x2a: {  	(xrf2) =	vadd.scan.msk.f32 $0xffff, v1  }
0x2b: {  	v2 =	vld [tilespmem:s14+$0x21]  }
0x2c: {  	v3 =	vld [tilespmem:s14+$0x20]  }
0x2d: {  	v60 =	vld [tilespmem:s14+$0x1F];
	_ =	sdelay $0x3  }
0x2e: {  	vm2 =	vne.s32 v3, v2  }
0x2f: {  	vm3 =	vne.s32 v3, v60;
	vm2 =	vmor vm2, vm0  }
0x30: {  	vm3 =	vmor vm3, vm1  }
0x31: {  	v2, _, _ =	vpop (xrf2)  }
0x32: {  	v1 =	vsub.f32 v1, v2;
	_ =	sdelay $0x1  }
0x33: {  	v1 =	vadd.f32 $0.0e+00, v1  }
0x34: {  	[tilespmem:v3+s10+$0x0] =	vst.idx.add.f32.msk vm2, v2  }
0x35: {  	[tilespmem:v3+s10+$0x0] =	vst.idx.add.f32.msk vm3, v1  }
0x36: {  	v1 =	vld [tilespmem:s14+$0x1CA0];
	_ =	sdelay $0x4  }
0x37: {  	(xrf2) =	vadd.scan.msk.f32 $0xffff, v1  }
0x38: {  	v2 =	vld [tilespmem:s14+$0x31]  }
0x39: {  	v3 =	vld [tilespmem:s14+$0x30]  }
0x3a: {  	v61 =	vld [tilespmem:s14+$0x2F];
	_ =	sdelay $0x3  }
0x3b: {  	vm2 =	vne.s32 v3, v2  }
0x3c: {  	vm3 =	vne.s32 v3, v61;
	vm2 =	vmor vm2, vm0  }
0x3d: {  	vm3 =	vmor vm3, vm1  }
0x3e: {  	v2, _, _ =	vpop (xrf2)  }
0x3f: {  	v1 =	vsub.f32 v1, v2;
	_ =	sdelay $0x1  }
0x40: {  	v1 =	vadd.f32 $0.0e+00, v1  }
0x41: {  	[tilespmem:v3+s10+$0x0] =	vst.idx.add.f32.msk vm2, v2  }
0x42: {  	[tilespmem:v3+s10+$0x0] =	vst.idx.add.f32.msk vm3, v1  }
0x43: {  	v1 =	vld [tilespmem:s14+$0x1CB0];
	_ =	sdelay $0x4  }
0x44: {  	(xrf2) =	vadd.scan.msk.f32 $0xffff, v1  }
0x45: {  	v2 =	vld [tilespmem:s14+$0x40]  }
0x46: {  	v3 =	vld [tilespmem:s14+$0x41]  }
0x47: {  	v62 =	vld [tilespmem:s14+$0x3F];
	_ =	sdelay $0x3  }
0x48: {  	vm2 =	vne.s32 v2, v3  }
0x49: {  	vm3 =	vne.s32 v2, v62;
	vm2 =	vmor vm2, vm0  }
0x4a: {  	vm3 =	vmor vm3, vm1  }
0x4b: {  	v3, _, _ =	vpop (xrf2)  }
0x4c: {  	v1 =	vsub.f32 v1, v3;
	_ =	sdelay $0x1  }
0x4d: {  	v1 =	vadd.f32 $0.0e+00, v1  }
0x4e: {  	[tilespmem:v2+s10+$0x0] =	vst.idx.add.f32.msk vm2, v3  }
0x4f: {  	[tilespmem:v2+s10+$0x0] =	vst.idx.add.f32.msk vm3, v1  }
0x50: {  	v2 =	vld [tilespmem:s14+$0x1CC0];
	_ =	sdelay $0x2  }
0x51: {  	v63 =	vld [tilespmem:s14+$0x51]  }
0x52: {  	v1 =	vld [tilespmem:s14+$0x50]  }
0x53: {  	(xrf2) =	vadd.scan.msk.f32 $0xffff, v2;
	_ =	sdelay $0x2  }
0x54: {  	v3 =	vld [tilespmem:s14+$0x4F]  }
0x55: {  	vm2 =	vne.s32 v1, v63  }
0x56: {  	vm3 =	vmor vm2, vm0;
	_ =	sdelay $0x2  }
0x57: {  	vm4 =	vne.s32 v1, v3  }
0x58: {  	s15 =	simm.s32 $0x200;
	vm2 =	vmor vm4, vm1  }
.LBB2_4:
0x59: {  	p0 =	sne.s32 s15, $0x6E00;
	v3, _, _ =	vpop (xrf2);
	s16 =	smov.u32 s15;
	s15 =	sadd.s32 $0x200, s15  }
0x5a: {  	s16 =	sshra.s32 s16, $0x2;
	[tilespmem:v1+s10+$0x0] =	vst.idx.add.f32.msk vm3, v3;
	v2 =	vsub.f32 v2, v3;
	_ =	sdelay $0x1  }
0x5b: {  	v2 =	vadd.f32 $0.0e+00, v2;
	_ =	sdelay $0x1  }
0x5c: {  	[tilespmem:v1+s10+$0x0] =	vst.idx.add.f32.msk vm2, v2  }
0x5d: {  	v1 =	vld [tilespmem:s14+$0x1CD0]  }
0x5e: {  	v2 =	vld [tilespmem:s14+$0x60]  }
0x5f: {  	v3 =	vld [tilespmem:s14+$0x5F]  }
0x60: {  	v4 =	vld [tilespmem:s14+$0x61];
	_ =	sdelay $0x1  }
0x61: {  	(xrf2) =	vadd.scan.msk.f32 $0xffff, v1;
	_ =	sdelay $0x1  }
0x62: {  	vm2 =	vne.s32 v2, v3  }
0x63: {  	vm3 =	vne.s32 v2, v4;
	_ =	sdelay $0x1  }
0x64: {  	vm3 =	vmor vm3, vm0;
	_ =	sdelay $0x3  }
0x65: {  	vm2 =	vmor vm2, vm1  }
0x66: {  	v3, _, _ =	vpop (xrf2)  }
0x67: {  	[tilespmem:v2+s10+$0x0] =	vst.idx.add.f32.msk vm3, v3;
	v1 =	vsub.f32 v1, v3;
	_ =	sdelay $0x1  }
0x68: {  	v1 =	vadd.f32 $0.0e+00, v1;
	_ =	sdelay $0x1  }
0x69: {  	[tilespmem:v2+s10+$0x0] =	vst.idx.add.f32.msk vm2, v1  }
0x6a: {  	v1 =	vld [tilespmem:s14+$0x1CE0]  }
0x6b: {  	v2 =	vld [tilespmem:s14+$0x6F]  }
0x6c: {  	v3 =	vld [tilespmem:s14+$0x70]  }
0x6d: {  	v4 =	vld [tilespmem:s14+$0x71];
	_ =	sdelay $0x1  }
0x6e: {  	(xrf2) =	vadd.scan.msk.f32 $0xffff, v1;
	_ =	sdelay $0x1  }
0x6f: {  	vm2 =	vne.s32 v3, v2;
	_ =	sdelay $0x1  }
0x70: {  	vm3 =	vne.s32 v3, v4  }
0x71: {  	vm3 =	vmor vm3, vm0;
	_ =	sdelay $0x3  }
0x72: {  	vm2 =	vmor vm2, vm1  }
0x73: {  	v2, _, _ =	vpop (xrf2)  }
0x74: {  	[tilespmem:v3+s10+$0x0] =	vst.idx.add.f32.msk vm3, v2;
	v1 =	vsub.f32 v1, v2;
	_ =	sdelay $0x1  }
0x75: {  	v1 =	vadd.f32 $0.0e+00, v1;
	_ =	sdelay $0x1  }
0x76: {  	[tilespmem:v3+s10+$0x0] =	vst.idx.add.f32.msk vm2, v1  }
0x77: {  	v1 =	vld [tilespmem:s14+$0x1CF0]  }
0x78: {  	v2 =	vld [tilespmem:s14+$0x7F]  }
0x79: {  	v3 =	vld [tilespmem:s14+$0x81]  }
0x7a: {  	v4 =	vld [tilespmem:s14+$0x80];
	s14 =	smov.u32 s16;
	_ =	sdelay $0x1  }
0x7b: {  	(xrf2) =	vadd.scan.msk.f32 $0xffff, v1;
	_ =	sdelay $0x2  }
0x7c: {  	vm2 =	vne.s32 v4, v3;
	vm3 =	vne.s32 v4, v2;
	_ =	sdelay $0x1  }
0x7d: {  	vm2 =	vmor vm2, vm0;
	_ =	sdelay $0x3  }
0x7e: {  	vm3 =	vmor vm3, vm1  }
0x7f: {  	v2, _, _ =	vpop (xrf2)  }
0x80: {  	[tilespmem:v4+s10+$0x0] =	vst.idx.add.f32.msk vm2, v2;
	v1 =	vsub.f32 v1, v2;
	_ =	sdelay $0x1  }
0x81: {  	v1 =	vadd.f32 $0.0e+00, v1;
	_ =	sdelay $0x1  }
0x82: {  	[tilespmem:v4+s10+$0x0] =	vst.idx.add.f32.msk vm3, v1;
	_ =	sdelay $0x1  }
0x83: {  	v1 =	vld [tilespmem:s14+$0x1C80]  }
0x84: {  	v2 =	vld [tilespmem:s14+$0xF]  }
0x85: {  	v3 =	vld [tilespmem:s14+$0x11]  }
0x86: {  	v4 =	vld [tilespmem:s14+$0x10];
	_ =	sdelay $0x1  }
0x87: {  	(xrf2) =	vadd.scan.msk.f32 $0xffff, v1;
	_ =	sdelay $0x2  }
0x88: {  	vm2 =	vne.s32 v4, v3;
	vm3 =	vne.s32 v4, v2  }
0x89: {  	vm2 =	vmor vm2, vm0;
	_ =	sdelay $0x1  }
0x8a: {  	vm3 =	vmor vm3, vm1;
	_ =	sdelay $0x3  }
0x8b: {  	v2, _, _ =	vpop (xrf2)  }
0x8c: {  	v1 =	vsub.f32 v1, v2;
	_ =	sdelay $0x1  }
0x8d: {  	v1 =	vadd.f32 $0.0e+00, v1  }
0x8e: {  	[tilespmem:v4+s10+$0x0] =	vst.idx.add.f32.msk vm2, v2  }
0x8f: {  	[tilespmem:v4+s10+$0x0] =	vst.idx.add.f32.msk vm3, v1  }
0x90: {  	v1 =	vld [tilespmem:s14+$0x1C90]  }
0x91: {  	v2 =	vld [tilespmem:s14+$0x21]  }
0x92: {  	v3 =	vld [tilespmem:s14+$0x1F]  }
0x93: {  	v4 =	vld [tilespmem:s14+$0x20];
	_ =	sdelay $0x1  }
0x94: {  	(xrf2) =	vadd.scan.msk.f32 $0xffff, v1;
	_ =	sdelay $0x2  }
0x95: {  	vm2 =	vne.s32 v4, v2;
	vm3 =	vne.s32 v4, v3  }
0x96: {  	vm2 =	vmor vm2, vm0  }
0x97: {  	vm3 =	vmor vm3, vm1;
	_ =	sdelay $0x4  }
0x98: {  	v2, _, _ =	vpop (xrf2)  }
0x99: {  	v1 =	vsub.f32 v1, v2;
	_ =	sdelay $0x1  }
0x9a: {  	v1 =	vadd.f32 $0.0e+00, v1  }
0x9b: {  	[tilespmem:v4+s10+$0x0] =	vst.idx.add.f32.msk vm2, v2  }
0x9c: {  	[tilespmem:v4+s10+$0x0] =	vst.idx.add.f32.msk vm3, v1  }
0x9d: {  	v1 =	vld [tilespmem:s14+$0x1CA0];
	_ =	sdelay $0x1  }
0x9e: {  	v2 =	vld [tilespmem:s14+$0x31]  }
0x9f: {  	v3 =	vld [tilespmem:s14+$0x30];
	_ =	sdelay $0x1  }
0xa0: {  	v4 =	vld [tilespmem:s14+$0x2F];
	(xrf2) =	vadd.scan.msk.f32 $0xffff, v1;
	_ =	sdelay $0x2  }
0xa1: {  	vm2 =	vne.s32 v3, v2  }
0xa2: {  	vm2 =	vmor vm2, vm0  }
0xa3: {  	vm3 =	vne.s32 v3, v4  }
0xa4: {  	vm3 =	vmor vm3, vm1;
	_ =	sdelay $0x3  }
0xa5: {  	v2, _, _ =	vpop (xrf2)  }
0xa6: {  	v1 =	vsub.f32 v1, v2;
	_ =	sdelay $0x1  }
0xa7: {  	v1 =	vadd.f32 $0.0e+00, v1  }
0xa8: {  	[tilespmem:v3+s10+$0x0] =	vst.idx.add.f32.msk vm2, v2  }
0xa9: {  	[tilespmem:v3+s10+$0x0] =	vst.idx.add.f32.msk vm3, v1  }
0xaa: {  	v1 =	vld [tilespmem:s14+$0x1CB0];
	_ =	sdelay $0x1  }
0xab: {  	v2 =	vld [tilespmem:s14+$0x3F]  }
0xac: {  	v3 =	vld [tilespmem:s14+$0x40]  }
0xad: {  	v4 =	vld [tilespmem:s14+$0x41]  }
0xae: {  	(xrf2) =	vadd.scan.msk.f32 $0xffff, v1;
	_ =	sdelay $0x2  }
0xaf: {  	vm2 =	vne.s32 v3, v2  }
0xb0: {  	vm3 =	vne.s32 v3, v4  }
0xb1: {  	vm3 =	vmor vm3, vm0;
	_ =	sdelay $0x3  }
0xb2: {  	vm2 =	vmor vm2, vm1  }
0xb3: {  	v2, _, _ =	vpop (xrf2)  }
0xb4: {  	[tilespmem:v3+s10+$0x0] =	vst.idx.add.f32.msk vm3, v2;
	v1 =	vsub.f32 v1, v2;
	_ =	sdelay $0x1  }
0xb5: {  	v1 =	vadd.f32 $0.0e+00, v1;
	_ =	sdelay $0x1  }
0xb6: {  	[tilespmem:v3+s10+$0x0] =	vst.idx.add.f32.msk vm2, v1  }
0xb7: {  	v2 =	vld [tilespmem:s14+$0x1CC0];
	_ =	sdelay $0x1  }
0xb8: {  	v3 =	vld [tilespmem:s14+$0x4F]  }
0xb9: {  	v4 =	vld [tilespmem:s14+$0x51]  }
0xba: {  	v1 =	vld [tilespmem:s14+$0x50]  }
0xbb: {  	(xrf2) =	vadd.scan.msk.f32 $0xffff, v2;
	_ =	sdelay $0x3  }
0xbc: {  	vm2 =	vne.s32 v1, v4;
	vm4 =	vne.s32 v1, v3  }
.Ltmp1:
0xbd: {  	vm3 =	vmor vm2, vm0;
	(pc) =	sbr.rel @p0 .LBB2_4-.Ltmp1, $2  }
0xbe: {  	_ =	sdelay $0x2  }
0xbf: {  	vm2 =	vmor vm4, vm1  }
0xc0: {  	_ = 	snop  }
0xc1: {  	v3, _, _ =	vpop (xrf2)  }
0xc2: {  	v2 =	vsub.f32 v2, v3;
	_ =	sdelay $0x1  }
0xc3: {  	v2 =	vadd.f32 $0.0e+00, v2  }
0xc4: {  	[tilespmem:v1+s10+$0x0] =	vst.idx.add.f32.msk vm3, v3  }
0xc5: {  	[tilespmem:v1+s10+$0x0] =	vst.idx.add.f32.msk vm2, v2  }
0xc6: {  	v1 =	vld [tilespmem:s14+$0x1CD0];
	_ =	sdelay $0x4  }
0xc7: {  	(xrf2) =	vadd.scan.msk.f32 $0xffff, v1  }
0xc8: {  	v2 =	vld [tilespmem:s14+$0x60]  }
0xc9: {  	v3 =	vld [tilespmem:s14+$0x61]  }
0xca: {  	v4 =	vld [tilespmem:s14+$0x5F];
	_ =	sdelay $0x3  }
0xcb: {  	vm2 =	vne.s32 v2, v3  }
0xcc: {  	vm3 =	vne.s32 v2, v4;
	vm2 =	vmor vm2, vm0  }
0xcd: {  	vm3 =	vmor vm3, vm1  }
0xce: {  	v3, _, _ =	vpop (xrf2)  }
0xcf: {  	v1 =	vsub.f32 v1, v3;
	_ =	sdelay $0x1  }
0xd0: {  	v1 =	vadd.f32 $0.0e+00, v1  }
0xd1: {  	[tilespmem:v2+s10+$0x0] =	vst.idx.add.f32.msk vm2, v3  }
0xd2: {  	[tilespmem:v2+s10+$0x0] =	vst.idx.add.f32.msk vm3, v1  }
0xd3: {  	v1 =	vld [tilespmem:s14+$0x1CE0];
	_ =	sdelay $0x4  }
0xd4: {  	(xrf2) =	vadd.scan.msk.f32 $0xffff, v1  }
0xd5: {  	v2 =	vld [tilespmem:s14+$0x70]  }
0xd6: {  	v3 =	vld [tilespmem:s14+$0x71]  }
0xd7: {  	v62 =	vld [tilespmem:s14+$0x6F];
	_ =	sdelay $0x3  }
0xd8: {  	vm2 =	vne.s32 v2, v3  }
0xd9: {  	vm3 =	vne.s32 v2, v62;
	vm2 =	vmor vm2, vm0  }
0xda: {  	vm3 =	vmor vm3, vm1  }
0xdb: {  	v3, _, _ =	vpop (xrf2)  }
0xdc: {  	v1 =	vsub.f32 v1, v3;
	_ =	sdelay $0x1  }
0xdd: {  	v1 =	vadd.f32 $0.0e+00, v1  }
0xde: {  	[tilespmem:v2+s10+$0x0] =	vst.idx.add.f32.msk vm2, v3  }
0xdf: {  	[tilespmem:v2+s10+$0x0] =	vst.idx.add.f32.msk vm3, v1  }
0xe0: {  	v1 =	vld [tilespmem:s14+$0x1CF0];
	_ =	sdelay $0x4  }
0xe1: {  	(xrf2) =	vadd.scan.msk.f32 $0xffff, v1  }
0xe2: {  	v2 =	vld [tilespmem:s14+$0x81]  }
0xe3: {  	v3 =	vld [tilespmem:s14+$0x80]  }
0xe4: {  	v63 =	vld [tilespmem:s14+$0x7F];
	_ =	sdelay $0x3  }
0xe5: {  	vm2 =	vne.s32 v3, v2  }
0xe6: {  	vm3 =	vne.s32 v3, v63;
	vm2 =	vmor vm2, vm0  }
0xe7: {  	vm3 =	vmor vm3, vm1  }
0xe8: {  	v2, _, _ =	vpop (xrf2)  }
0xe9: {  	v1 =	vsub.f32 v1, v2;
	_ =	sdelay $0x1  }
0xea: {  	s13 =	sadd.s32 $0x1, s13;
	v1 =	vadd.f32 $0.0e+00, v1  }
0xeb: {  	p0 =	sne.s32 s13, s6;
	[tilespmem:v3+s10+$0x0] =	vst.idx.add.f32.msk vm2, v2  }
.Ltmp2:
0xec: {  	[tilespmem:v3+s10+$0x0] =	vst.idx.add.f32.msk vm3, v1;
	(pc) =	sbr.rel @p0 .LBB2_1-.Ltmp2, $4  }
0xed: {  	[hbm4b:s5+s11] =	stream.strided.scatter [tilespmem:s10], [sflag:$0x1], $0x2800, s12, s11, $0x38;
	[tilespmem:$0x6080] =	vst v63  }
0xee: {  	_ =	swait.ge [sflag:s8], $0x2800  }
0xef: {  	[sflag:s8] =	ssyncset.done $0x0  }
0xf0: {  	[sflag:s8] =	ssyncadd.s32 $0xFFFFD800  }
0xf1: {  	_ =	sfence.sel $0x180000  }
0xf2: {  	[bflag:$0x0] =	sbarrier.arrive $0xFFFF  }
0xf3: {  	p0 =	sne.s32 s0, $0x0;
	_ =	strace $0x90000047  }
0xf4: {  	s0 =	sadd.s32 @!p0 $0x100000, s1;
	[bflag:$0x2] =	sbarrier.arrive $0xFFFF  }
0xf5: {  	[sflag:s0] =	ssyncadd.tile.s32 @!p0 $0x1;
	_ =	shalt  }
.Lfunc_end2:
_tile_overlayer_lowered:
.L_overlay_start_2:
0xf6: {  	(tag) =	ssettag $0x2  }
0xf7: {  	s0 =	rddreg [dreg:$0x0];
	s2 =	stileid.u32  }
0xf8: {  	s1 =	rddreg [dreg:$0x1];
	p0 =	sne.s32 s2, $0x0  }
0xf9: {  	s3 =	rddreg [dreg:$0x2];
	[bflag:$0x3] =	sbarrier.arrive $0xFFFF;
	s2 =	simm.s32 @!p0 $0x1C01  }
0xfa: {  	[timem:s3], [sflag:s2] =	dma.local @!p0 [hbm:s0], s1  }
0xfb: {  	s0 =	simm.s32 @!p0 $0x1  }
0xfc: {  	_ =	swait.ge @!p0 [sflag:s0], s1  }
0xfd: {  	s1 =	ssub.s32 @!p0 $0x0, s1;
	[sflag:s0] =	ssyncset.done @!p0 $0x0  }
0xfe: {  	[sflag:s0] =	ssyncadd.s32 @!p0 s1  }
0xff: {  	[bflag:$0x3] =	sbarrier.arrive $0xFFFF  }
0x100: {  	_ =	shalt  }

</sc_bundles>
